<compile_context>
chip_gen: v7x
topology: tpu7x:2x2x1
jax: 0.10.2.dev20260603
libtpu: 0.0.44.dev20260713+nightly
codegen_flags: <defaults>
</compile_context>

<pallas_src>
import jax
import jax.numpy as jnp
import numpy as np
from jax import lax
from jax.experimental import pallas as pl
from jax.experimental.pallas import tpu as pltpu
from jax.experimental.pallas import tpu_sc as plsc

N = 10000
E = 320000
H = 128
EPAD = 327680
EROWS = EPAD // H
RW = 80
ACC = 10240
STRIPE = ACC // 16
BM = 2000

_f32 = jnp.float32



def _deg_body(dst_hbm, deg_out, acc3, dst_v, ones_v, zero_v):
    c = lax.axis_index("c")
    s = lax.axis_index("s")
    wid = c * 16 + s

    def z640(j, carry):
        zero_v[pl.ds(j * 16, 16)] = jnp.zeros((16,), _f32)
        return carry
    lax.fori_loop(0, 40, z640, 0)
    pltpu.sync_copy(zero_v, acc3.at[pl.ds(s * 640, 640)])

    def o128(j, carry):
        ones_v[pl.ds(j * 16, 16)] = jnp.full((16,), 1.0, _f32)
        return carry
    lax.fori_loop(0, 8, o128, 0)

    pltpu.sync_copy(dst_hbm.at[pl.ds(wid * RW, RW)], dst_v)
    plsc.subcore_barrier()

    def scat(i, carry):
        pltpu.sync_copy(ones_v, acc3.at[dst_v.at[i]], add=True)
        return carry
    lax.fori_loop(0, RW, scat, 0)
    plsc.subcore_barrier()

    pltpu.sync_copy(acc3.at[pl.ds(s * 640, 640)],
                    deg_out.at[pl.ds(c * ACC + s * 640, 640)])


_deg_call = pl.kernel(
    _deg_body,
    out_type=jax.ShapeDtypeStruct((2 * ACC,), _f32),
    mesh=plsc.VectorSubcoreMesh(core_axis_name="c", subcore_axis_name="s"),
    scratch_types=[
        pltpu.VMEM_SHARED((ACC,), _f32),
        pltpu.VMEM((RW, 128), jnp.int32),
        pltpu.VMEM((128,), _f32),
        pltpu.VMEM((640,), _f32),
    ],
)



def _agg_body(g_hbm, src_hbm, dst_hbm, p_out, acc, src_v, dst_v, r0, s0, s1):
    c = lax.axis_index("c")
    s = lax.axis_index("s")
    wid = c * 16 + s

    def fill_zero(k, carry):
        i = k // 8
        j = lax.rem(k, 8)
        r0[i, pl.ds(j * 16, 16)] = jnp.zeros((16,), _f32)
        return carry
    lax.fori_loop(0, 1024, fill_zero, 0)

    for k in range(STRIPE // 128):
        pltpu.sync_copy(r0, acc.at[pl.ds(s * STRIPE + k * 128, 128)])
    plsc.subcore_barrier()

    pltpu.sync_copy(src_hbm.at[pl.ds(wid * RW, RW)], src_v.at[pl.ds(0, RW)])
    pltpu.sync_copy(src_hbm.at[pl.ds(wid * RW, 8)], src_v.at[pl.ds(RW, 8)])
    pltpu.sync_copy(dst_hbm.at[pl.ds(wid * RW, RW)], dst_v)

    ha = r0.at[pl.ds(0, 64)]
    hb = r0.at[pl.ds(64, 64)]
    pltpu.async_copy(g_hbm.at[src_v.at[0, pl.ds(0, 64)]], ha, s0)
    pltpu.async_copy(g_hbm.at[src_v.at[0, pl.ds(64, 64)]], hb, s1)

    def step(i, carry):
        pltpu.make_async_copy(g_hbm.at[src_v.at[i, pl.ds(0, 64)]], ha, s0).wait()
        pltpu.make_async_copy(g_hbm.at[src_v.at[i, pl.ds(64, 64)]], hb, s1).wait()
        pltpu.sync_copy(r0, acc.at[dst_v.at[i]], add=True)
        pltpu.async_copy(g_hbm.at[src_v.at[i + 1, pl.ds(0, 64)]], ha, s0)
        pltpu.async_copy(g_hbm.at[src_v.at[i + 1, pl.ds(64, 64)]], hb, s1)
        return carry
    lax.fori_loop(0, RW, step, 0)
    pltpu.make_async_copy(g_hbm.at[src_v.at[RW, pl.ds(0, 64)]], ha, s0).wait()
    pltpu.make_async_copy(g_hbm.at[src_v.at[RW, pl.ds(64, 64)]], hb, s1).wait()
    plsc.subcore_barrier()

    pltpu.sync_copy(acc.at[pl.ds(s * STRIPE, STRIPE)],
                    p_out.at[c, pl.ds(s * STRIPE, STRIPE)])


_agg_call = pl.kernel(
    _agg_body,
    out_type=jax.ShapeDtypeStruct((2, ACC, H), _f32),
    mesh=plsc.VectorSubcoreMesh(core_axis_name="c", subcore_axis_name="s"),
    scratch_types=[
        pltpu.VMEM_SHARED((ACC, H), _f32),
        pltpu.VMEM((RW + 8, 128), jnp.int32),
        pltpu.VMEM((RW, 128), jnp.int32),
        pltpu.VMEM((128, H), _f32),
        pltpu.SemaphoreType.DMA,
        pltpu.SemaphoreType.DMA,
    ],
)



def _dinv(d0_ref, d1_ref):
    return lax.rsqrt(d0_ref[...] + d1_ref[...] + 1.0)


def _embed_body(x_ref, we_ref, be_ref, w1_ref, d0_ref, d1_ref, g_ref):
    dinv = _dinv(d0_ref, d1_ref)
    h0 = jnp.dot(x_ref[...], we_ref[...], precision=lax.Precision.HIGHEST,
                 preferred_element_type=_f32) + be_ref[...]
    z = jnp.dot(h0, w1_ref[...], precision=lax.Precision.HIGHEST,
                preferred_element_type=_f32)
    g_ref[...] = dinv * z


def _step_body(p_ref, gin_ref, b_ref, w_ref, d0_ref, d1_ref, h_ref, g_ref):
    dinv = _dinv(d0_ref, d1_ref)
    t = p_ref[0] + p_ref[1] + gin_ref[...]
    h = jnp.maximum(dinv * t + b_ref[...], 0.0)
    h_ref[...] = h
    z = jnp.dot(h, w_ref[...], precision=lax.Precision.HIGHEST,
                preferred_element_type=_f32)
    g_ref[...] = dinv * z


_GRID = (N // BM,)
_spec_rows = pl.BlockSpec((BM, H), lambda i: (i, 0))
_spec_w = pl.BlockSpec((H, H), lambda i: (0, 0))
_spec_b = pl.BlockSpec((1, H), lambda i: (0, 0))
_spec_d = pl.BlockSpec((BM, 1), lambda i: (i, 0))
_spec_p = pl.BlockSpec((2, BM, H), lambda i: (0, i, 0))
_out_rows = jax.ShapeDtypeStruct((N, H), _f32)

_embed_call = pl.pallas_call(
    _embed_body, grid=_GRID,
    in_specs=[_spec_rows, _spec_w, _spec_b, _spec_w, _spec_d, _spec_d],
    out_specs=_spec_rows, out_shape=_out_rows)

_step_call = pl.pallas_call(
    _step_body, grid=_GRID,
    in_specs=[_spec_p, _spec_rows, _spec_b, _spec_w, _spec_d, _spec_d],
    out_specs=(_spec_rows, _spec_rows), out_shape=(_out_rows, _out_rows))



_PJ = np.arange(EPAD - E)
_PAD_SRC = np.asarray((_PJ * 37) % N, np.int32)
_PAD_DST = np.asarray(N + (_PJ % (ACC - N)), np.int32)


def kernel(x, edge_index, W_emb, b_emb, W1, b1, W2, b2, W3, b3):
    src = jnp.concatenate([edge_index[0], jnp.asarray(_PAD_SRC)]).reshape(EROWS, 128)
    dst = jnp.concatenate([edge_index[1], jnp.asarray(_PAD_DST)]).reshape(EROWS, 128)

    degdump = _deg_call(dst)
    d0 = lax.slice(degdump, (0,), (N,)).reshape(N, 1)
    d1 = lax.slice(degdump, (ACC,), (ACC + N,)).reshape(N, 1)

    g = _embed_call(x, W_emb, b_emb.reshape(1, H), W1, d0, d1)

    Ws = jnp.stack([W2, W3, W3])
    bs = jnp.stack([b1.reshape(1, H), b2.reshape(1, H), b3.reshape(1, H)])

    def body(l, carry):
        g, _ = carry
        p = _agg_call(g, src, dst)
        W = lax.dynamic_index_in_dim(Ws, l, 0, keepdims=False)
        b = lax.dynamic_index_in_dim(bs, l, 0, keepdims=False)
        hh, gg = _step_call(p, g, b, W, d0, d1)
        return (gg, hh)

    _, h = lax.fori_loop(0, 3, body, (g, jnp.zeros((N, H), _f32)))
    return h

# --- scband reference (transcript-rebuilt; emitter-appended) ---
"""Pipeline reference for scband-position-encoder-50560355009095 (READ-ONLY COPY).

The authoritative reference and input builder live on the scoring server;
editing this copy changes nothing except your own understanding.
"""

import jax, jax.numpy as jnp
import numpy as np

N = 10000
E = 320000
D = 128
H = 128


def setup_inputs(seed: int = 0) -> dict:
    key = jax.random.key(seed)
    ks = jax.random.split(key, 10)
    x = jax.random.normal(ks[0], (N, D), dtype=jnp.float32)
    edge_index = jax.random.randint(ks[1], (2, E), 0, N, dtype=jnp.int32)
    s_in = 1.0 / np.sqrt(D)
    s_h = 1.0 / np.sqrt(H)
    W_emb = jax.random.uniform(ks[2], (D, H), jnp.float32, -s_in, s_in)
    b_emb = jax.random.uniform(ks[3], (H,), jnp.float32, -s_in, s_in)
    W1 = jax.random.uniform(ks[4], (H, H), jnp.float32, -s_h, s_h)
    b1 = jnp.zeros((H,), jnp.float32)
    W2 = jax.random.uniform(ks[5], (H, H), jnp.float32, -s_h, s_h)
    b2 = jnp.zeros((H,), jnp.float32)
    W3 = jax.random.uniform(ks[6], (H, H), jnp.float32, -s_h, s_h)
    b3 = jnp.zeros((H,), jnp.float32)
    return {"x": x, "edge_index": edge_index, "W_emb": W_emb, "b_emb": b_emb,
            "W1": W1, "b1": b1, "W2": W2, "b2": b2, "W3": W3, "b3": b3}


def _gcn_layer(x, src, dst, W, b):
    # PyG GCNConv: out = D^{-1/2} (A + I) D^{-1/2} X W + b
    h = x @ W
    loop = jnp.arange(N, dtype=src.dtype)
    s = jnp.concatenate([src, loop])
    d = jnp.concatenate([dst, loop])
    deg = jax.ops.segment_sum(jnp.ones(s.shape[0], x.dtype), d, num_segments=N)
    dinv = jnp.where(deg > 0, jax.lax.rsqrt(jnp.maximum(deg, 1e-12)), 0.0)
    norm = dinv[s] * dinv[d]
    msg = h[s] * norm[:, None]
    agg = jax.ops.segment_sum(msg, d, num_segments=N)
    return agg + b


def reference(x, edge_index, W_emb, b_emb, W1, b1, W2, b2, W3, b3):
    src = edge_index[0]
    dst = edge_index[1]
    h = x @ W_emb + b_emb          # embedding Linear
    h = jax.nn.relu(_gcn_layer(h, src, dst, W1, b1))  # conv1 + relu
    h = jax.nn.relu(_gcn_layer(h, src, dst, W2, b2))  # convs[0] + relu
    h = jax.nn.relu(_gcn_layer(h, src, dst, W3, b3))  # convs[1] + relu
    return h

if __name__ == "__main__":
    import jax
    _d = setup_inputs()
    print(jax.jit(kernel)(*tuple(_d.values())))

</pallas_src>

<mosaic_0001>
#map = affine_map<(d0, d1) -> (0, 0)>
#map1 = affine_map<(d0, d1) -> (0)>
module attributes {stable_mosaic.version = 14 : i64} {
  func.func @_deg_body(%arg0: i32, %arg1: i32, %arg2: memref<2560x128xi32, #tpu.memory_space<hbm>>, %arg3: memref<20480xf32, #tpu.memory_space<hbm>>, %arg4: memref<10240xf32, #tpu.memory_space<vmem_shared>>, %arg5: memref<80x128xi32, #tpu.memory_space<vmem>>, %arg6: memref<128xf32, #tpu.memory_space<vmem>>, %arg7: memref<640xf32, #tpu.memory_space<vmem>>) attributes {dimension_semantics = [#tpu.dimension_semantics<core_parallel>, #tpu.dimension_semantics<subcore_parallel>], iteration_bounds = array<i64: 2, 16>, scalar_prefetch = 0 : i64, scratch_operands = 4 : i64, tpu.core_type = #tpu.core_type<sc_vector_subcore>, window_params = [{transform_indices = #map}, {transform_indices = #map1}]} {
    %mul3A = arith.constant 16 : i32
    %mul3A_0 = arith.muli %arg0, %mul3A : i32
    %add3A = arith.addi %mul3A_0, %arg1 : i32
    %scan3A = arith.constant 0 : i32
    %scan3A_1 = arith.constant 0 : i32
    %scan3A_2 = arith.constant 40 : i32
    %scan3A_3 = arith.addi %scan3A_1, %scan3A_2 : i32
    %scan3A_4 = arith.constant 1 : i32
    scf.for %scan3A_30 = %scan3A_1 to %scan3A_3 step %scan3A_4  : i32 {
      %broadcast_in_dim3A = arith.constant 0.000000e+00 : f32
      %broadcast_in_dim3A_31 = vector.broadcast %broadcast_in_dim3A : f32 to vector<16xf32>
      %mul3A_32 = arith.constant 16 : i32
      %mul3A_33 = arith.muli %scan3A_30, %mul3A_32 : i32
      %swap3A = arith.index_cast %mul3A_33 : i32 to index
      %swap3A_34 = tpu.vector_load %arg7[%swap3A] {strides = array<i32>} : memref<640xf32, #tpu.memory_space<vmem>>, vector<16xf32>,
      %swap3A_35 = vector.shape_cast %swap3A_34 : vector<16xf32> to vector<16xf32>
      %swap3A_36 = vector.shape_cast %broadcast_in_dim3A_31 : vector<16xf32> to vector<16xf32>
      tpu.vector_store %arg7[%swap3A], %swap3A_36 {strides = array<i32>} : memref<640xf32, #tpu.memory_space<vmem>>, vector<16xf32>,
    }
    %scan3A_5 = arith.constant 40 : i32
    %mul3A_6 = arith.constant 640 : i32
    %mul3A_7 = arith.muli %arg1, %mul3A_6 : i32
    "tpu.region"() ({
      %run_scoped3A = tpu.sem_alloc : memref<!tpu.dma_semaphore, #tpu.memory_space<semaphore_mem>>
      %dma_start3A = tpu.memref_slice %arg4[%mul3A_7] : memref<10240xf32, #tpu.memory_space<vmem_shared>> -> memref<640xf32, #tpu.memory_space<vmem_shared>>
      %dma_start3A_30 = tpu.memref_slice %arg4[%mul3A_7] : memref<10240xf32, #tpu.memory_space<vmem_shared>> -> memref<640xf32, #tpu.memory_space<vmem_shared>>
      tpu.enqueue_dma source(%arg7 : memref<640xf32, #tpu.memory_space<vmem>>) target(%dma_start3A_30 : memref<640xf32, #tpu.memory_space<vmem_shared>>) target_semaphore(%run_scoped3A : memref<!tpu.dma_semaphore, #tpu.memory_space<semaphore_mem>>)
      %dma_wait3A = tpu.memref_slice %arg4[%mul3A_7] : memref<10240xf32, #tpu.memory_space<vmem_shared>> -> memref<640xf32, #tpu.memory_space<vmem_shared>>
      %dma_wait3A_31 = tpu.memref_slice %arg4[%mul3A_7] : memref<10240xf32, #tpu.memory_space<vmem_shared>> -> memref<640xf32, #tpu.memory_space<vmem_shared>>
      tpu.wait_dma2 semaphore(%run_scoped3A : memref<!tpu.dma_semaphore, #tpu.memory_space<semaphore_mem>>) src(%arg7 : memref<640xf32, #tpu.memory_space<vmem>>) dst(%dma_wait3A_31 : memref<640xf32, #tpu.memory_space<vmem_shared>>)
      tpu.yield
    }) : () -> ()
    %scan3A_8 = arith.constant 0 : i32
    %scan3A_9 = arith.constant 0 : i32
    %scan3A_10 = arith.constant 8 : i32
    %scan3A_11 = arith.addi %scan3A_9, %scan3A_10 : i32
    %scan3A_12 = arith.constant 1 : i32
    scf.for %scan3A_30 = %scan3A_9 to %scan3A_11 step %scan3A_12  : i32 {
      %broadcast_in_dim3A = arith.constant 1.000000e+00 : f32
      %broadcast_in_dim3A_31 = vector.broadcast %broadcast_in_dim3A : f32 to vector<16xf32>
      %mul3A_32 = arith.constant 16 : i32
      %mul3A_33 = arith.muli %scan3A_30, %mul3A_32 : i32
      %swap3A = arith.index_cast %mul3A_33 : i32 to index
      %swap3A_34 = tpu.vector_load %arg6[%swap3A] {strides = array<i32>} : memref<128xf32, #tpu.memory_space<vmem>>, vector<16xf32>,
      %swap3A_35 = vector.shape_cast %swap3A_34 : vector<16xf32> to vector<16xf32>
      %swap3A_36 = vector.shape_cast %broadcast_in_dim3A_31 : vector<16xf32> to vector<16xf32>
      tpu.vector_store %arg6[%swap3A], %swap3A_36 {strides = array<i32>} : memref<128xf32, #tpu.memory_space<vmem>>, vector<16xf32>,
    }
    %scan3A_13 = arith.constant 8 : i32
    %mul3A_14 = arith.constant 80 : i32
    %mul3A_15 = arith.muli %add3A, %mul3A_14 : i32
    "tpu.region"() ({
      %run_scoped3A = tpu.sem_alloc : memref<!tpu.dma_semaphore, #tpu.memory_space<semaphore_mem>>
      %dma_start3A = arith.constant 0 : i32
      %dma_start3A_30 = tpu.memref_slice %arg2[%mul3A_15, %dma_start3A] : memref<2560x128xi32, #tpu.memory_space<hbm>> -> memref<80x128xi32, #tpu.memory_space<hbm>>
      %dma_start3A_31 = arith.constant 0 : i32
      %dma_start3A_32 = tpu.memref_slice %arg2[%mul3A_15, %dma_start3A_31] : memref<2560x128xi32, #tpu.memory_space<hbm>> -> memref<80x128xi32, #tpu.memory_space<hbm>>
      tpu.enqueue_dma source(%dma_start3A_32 : memref<80x128xi32, #tpu.memory_space<hbm>>) target(%arg5 : memref<80x128xi32, #tpu.memory_space<vmem>>) target_semaphore(%run_scoped3A : memref<!tpu.dma_semaphore, #tpu.memory_space<semaphore_mem>>)
      %dma_wait3A = arith.constant 0 : i32
      %dma_wait3A_33 = tpu.memref_slice %arg2[%mul3A_15, %dma_wait3A] : memref<2560x128xi32, #tpu.memory_space<hbm>> -> memref<80x128xi32, #tpu.memory_space<hbm>>
      %dma_wait3A_34 = arith.constant 0 : i32
      %dma_wait3A_35 = tpu.memref_slice %arg2[%mul3A_15, %dma_wait3A_34] : memref<2560x128xi32, #tpu.memory_space<hbm>> -> memref<80x128xi32, #tpu.memory_space<hbm>>
      tpu.wait_dma2 semaphore(%run_scoped3A : memref<!tpu.dma_semaphore, #tpu.memory_space<semaphore_mem>>) src(%dma_wait3A_35 : memref<80x128xi32, #tpu.memory_space<hbm>>) dst(%arg5 : memref<80x128xi32, #tpu.memory_space<vmem>>)
      tpu.yield
    }) : () -> ()
    %barrier3A = arith.constant 0 : index
    tpu.barrier barrier_id(%barrier3A)
    %scan3A_16 = arith.constant 0 : i32
    %scan3A_17 = arith.constant 0 : i32
    %scan3A_18 = arith.constant 80 : i32
    %scan3A_19 = arith.addi %scan3A_17, %scan3A_18 : i32
    %scan3A_20 = arith.constant 1 : i32
    scf.for %scan3A_30 = %scan3A_17 to %scan3A_19 step %scan3A_20  : i32 {
      "tpu.region"() ({
        %run_scoped3A = tpu.sem_alloc : memref<!tpu.dma_semaphore, #tpu.memory_space<semaphore_mem>>
        %dma_start3A = arith.constant 0 : i32
        %dma_start3A_31 = tpu.memref_slice %arg5[%scan3A_30, %dma_start3A] : memref<80x128xi32, #tpu.memory_space<vmem>> -> memref<1x128xi32, #tpu.memory_space<vmem>>
        %dma_start3A_32 = tpu.memref_squeeze %dma_start3A_31 : memref<1x128xi32, #tpu.memory_space<vmem>> -> memref<128xi32, #tpu.memory_space<vmem>>
        %dma_start3A_33 = arith.constant 0 : i32
        %dma_start3A_34 = tpu.memref_slice %arg4[%dma_start3A_33] : memref<10240xf32, #tpu.memory_space<vmem_shared>> -> memref<10240xf32, #tpu.memory_space<vmem_shared>>
        tpu.enqueue_indirect_dma source(%arg6 : memref<128xf32, #tpu.memory_space<vmem>>) target(%dma_start3A_34 : memref<10240xf32, #tpu.memory_space<vmem_shared>>) offsets(%dma_start3A_32 : memref<128xi32, #tpu.memory_space<vmem>>) semaphore(%run_scoped3A : memref<!tpu.dma_semaphore, #tpu.memory_space<semaphore_mem>>) {add = true}
        %dma_wait3A = arith.constant 0 : i32
        %dma_wait3A_35 = tpu.memref_slice %arg5[%scan3A_30, %dma_wait3A] : memref<80x128xi32, #tpu.memory_space<vmem>> -> memref<1x128xi32, #tpu.memory_space<vmem>>
        %dma_wait3A_36 = tpu.memref_squeeze %dma_wait3A_35 : memref<1x128xi32, #tpu.memory_space<vmem>> -> memref<128xi32, #tpu.memory_space<vmem>>
        %dma_wait3A_37 = arith.constant 0 : i32
        %dma_wait3A_38 = tpu.memref_slice %arg4[%dma_wait3A_37] : memref<10240xf32, #tpu.memory_space<vmem_shared>> -> memref<10240xf32, #tpu.memory_space<vmem_shared>>
        tpu.wait_indirect_dma semaphore(%run_scoped3A : memref<!tpu.dma_semaphore, #tpu.memory_space<semaphore_mem>>) src(%arg6 : memref<128xf32, #tpu.memory_space<vmem>>) dst(%dma_wait3A_38 : memref<10240xf32, #tpu.memory_space<vmem_shared>>)
        tpu.yield
      }) : () -> ()
    }
    %scan3A_21 = arith.constant 80 : i32
    %barrier3A_22 = arith.constant 0 : index
    tpu.barrier barrier_id(%barrier3A_22)
    %mul3A_23 = arith.constant 640 : i32
    %mul3A_24 = arith.muli %arg1, %mul3A_23 : i32
    %mul3A_25 = arith.constant 10240 : i32
    %mul3A_26 = arith.muli %arg0, %mul3A_25 : i32
    %mul3A_27 = arith.constant 640 : i32
    %mul3A_28 = arith.muli %arg1, %mul3A_27 : i32
    %add3A_29 = arith.addi %mul3A_26, %mul3A_28 : i32
    "tpu.region"() ({
      %run_scoped3A = tpu.sem_alloc : memref<!tpu.dma_semaphore, #tpu.memory_space<semaphore_mem>>
      %dma_start3A = tpu.memref_slice %arg3[%add3A_29] : memref<20480xf32, #tpu.memory_space<hbm>> -> memref<640xf32, #tpu.memory_space<hbm>>
      %dma_start3A_30 = tpu.memref_slice %arg4[%mul3A_24] : memref<10240xf32, #tpu.memory_space<vmem_shared>> -> memref<640xf32, #tpu.memory_space<vmem_shared>>
      tpu.enqueue_dma source(%dma_start3A_30 : memref<640xf32, #tpu.memory_space<vmem_shared>>) target(%dma_start3A : memref<640xf32, #tpu.memory_space<hbm>>) target_semaphore(%run_scoped3A : memref<!tpu.dma_semaphore, #tpu.memory_space<semaphore_mem>>)
      %dma_wait3A = tpu.memref_slice %arg3[%add3A_29] : memref<20480xf32, #tpu.memory_space<hbm>> -> memref<640xf32, #tpu.memory_space<hbm>>
      %dma_wait3A_31 = tpu.memref_slice %arg4[%mul3A_24] : memref<10240xf32, #tpu.memory_space<vmem_shared>> -> memref<640xf32, #tpu.memory_space<vmem_shared>>
      tpu.wait_dma2 semaphore(%run_scoped3A : memref<!tpu.dma_semaphore, #tpu.memory_space<semaphore_mem>>) src(%dma_wait3A_31 : memref<640xf32, #tpu.memory_space<vmem_shared>>) dst(%dma_wait3A : memref<640xf32, #tpu.memory_space<hbm>>)
      tpu.yield
    }) : () -> ()
    return
  }
}

#map = affine_map<(d0, d1) -> (0, 0)>
#map1 = affine_map<(d0, d1) -> (0, 0, 0)>
module attributes {stable_mosaic.version = 14 : i64} {
  func.func @_agg_body(%arg0: i32, %arg1: i32, %arg2: memref<10000x128xf32, #tpu.memory_space<hbm>>, %arg3: memref<2560x128xi32, #tpu.memory_space<hbm>>, %arg4: memref<2560x128xi32, #tpu.memory_space<hbm>>, %arg5: memref<2x10240x128xf32, #tpu.memory_space<hbm>>, %arg6: memref<10240x128xf32, #tpu.memory_space<vmem_shared>>, %arg7: memref<88x128xi32, #tpu.memory_space<vmem>>, %arg8: memref<80x128xi32, #tpu.memory_space<vmem>>, %arg9: memref<128x128xf32, #tpu.memory_space<vmem>>, %arg10: memref<!tpu.dma_semaphore, #tpu.memory_space<semaphore_mem>>, %arg11: memref<!tpu.dma_semaphore, #tpu.memory_space<semaphore_mem>>) attributes {dimension_semantics = [#tpu.dimension_semantics<core_parallel>, #tpu.dimension_semantics<subcore_parallel>], iteration_bounds = array<i64: 2, 16>, scalar_prefetch = 0 : i64, scratch_operands = 6 : i64, tpu.core_type = #tpu.core_type<sc_vector_subcore>, window_params = [{transform_indices = #map}, {transform_indices = #map}, {transform_indices = #map}, {transform_indices = #map1}]} {
    %mul3A = arith.constant 16 : i32
    %mul3A_0 = arith.muli %arg0, %mul3A : i32
    %add3A = arith.addi %mul3A_0, %arg1 : i32
    %scan3A = arith.constant 0 : i32
    %scan3A_1 = arith.constant 0 : i32
    %scan3A_2 = arith.constant 1024 : i32
    %scan3A_3 = arith.addi %scan3A_1, %scan3A_2 : i32
    %scan3A_4 = arith.constant 1 : i32
    scf.for %scan3A_81 = %scan3A_1 to %scan3A_3 step %scan3A_4  : i32 {
      %jit3A = arith.constant 8 : i32
      %div3A = arith.divsi %scan3A_81, %jit3A : i32
      %sign3A = arith.constant 0 : i32
      %sign3A_82 = arith.cmpi sgt, %scan3A_81, %sign3A : i32
      %sign3A_83 = arith.extui %sign3A_82 : i1 to i32
      %sign3A_84 = arith.constant 0 : i32
      %sign3A_85 = arith.cmpi slt, %scan3A_81, %sign3A_84 : i32
      %sign3A_86 = arith.extui %sign3A_85 : i1 to i32
      %sign3A_87 = arith.subi %sign3A_83, %sign3A_86 : i32
      %sign3A_88 = arith.constant 0 : i32
      %sign3A_89 = arith.cmpi sgt, %jit3A, %sign3A_88 : i32
      %sign3A_90 = arith.extui %sign3A_89 : i1 to i32
      %sign3A_91 = arith.constant 0 : i32
      %sign3A_92 = arith.cmpi slt, %jit3A, %sign3A_91 : i32
      %sign3A_93 = arith.extui %sign3A_92 : i1 to i32
      %sign3A_94 = arith.subi %sign3A_90, %sign3A_93 : i32
      %ne3A = arith.cmpi ne, %sign3A_87, %sign3A_94 : i32
      %rem3A = arith.remsi %scan3A_81, %jit3A : i32
      %ne3A_95 = arith.constant 0 : i32
      %ne3A_96 = arith.cmpi ne, %rem3A, %ne3A_95 : i32
      %and3A = arith.andi %ne3A, %ne3A_96 : i1
      %sub3A = arith.constant 1 : i32
      %sub3A_97 = arith.subi %div3A, %sub3A : i32
      %select_n3A = arith.select %and3A, %sub3A_97, %div3A : i32
      %rem3A_98 = arith.constant 8 : i32
      %rem3A_99 = arith.remsi %scan3A_81, %rem3A_98 : i32
      %broadcast_in_dim3A = arith.constant 0.000000e+00 : f32
      %broadcast_in_dim3A_100 = vector.broadcast %broadcast_in_dim3A : f32 to vector<16xf32>
      %mul3A_101 = arith.constant 16 : i32
      %mul3A_102 = arith.muli %rem3A_99, %mul3A_101 : i32
      %swap3A = arith.index_cast %select_n3A : i32 to index
      %swap3A_103 = arith.index_cast %mul3A_102 : i32 to index
      %swap3A_104 = tpu.vector_load %arg9[%swap3A, %swap3A_103] {strides = array<i32>} : memref<128x128xf32, #tpu.memory_space<vmem>>, vector<1x16xf32>,
      %swap3A_105 = vector.shape_cast %swap3A_104 : vector<1x16xf32> to vector<16xf32>
      %swap3A_106 = vector.shape_cast %broadcast_in_dim3A_100 : vector<16xf32> to vector<1x16xf32>
      tpu.vector_store %arg9[%swap3A, %swap3A_103], %swap3A_106 {strides = array<i32>} : memref<128x128xf32, #tpu.memory_space<vmem>>, vector<1x16xf32>,
    }
    %scan3A_5 = arith.constant 1024 : i32
    %mul3A_6 = arith.constant 640 : i32
    %mul3A_7 = arith.muli %arg1, %mul3A_6 : i32
    %add3A_8 = arith.constant 0 : i32
    %add3A_9 = arith.addi %mul3A_7, %add3A_8 : i32
    "tpu.region"() ({
      %run_scoped3A = tpu.sem_alloc : memref<!tpu.dma_semaphore, #tpu.memory_space<semaphore_mem>>
      %dma_start3A_81 = arith.constant 0 : i32
      %dma_start3A_82 = tpu.memref_slice %arg6[%add3A_9, %dma_start3A_81] : memref<10240x128xf32, #tpu.memory_space<vmem_shared>> -> memref<128x128xf32, #tpu.memory_space<vmem_shared>>
      %dma_start3A_83 = arith.constant 0 : i32
      %dma_start3A_84 = tpu.memref_slice %arg6[%add3A_9, %dma_start3A_83] : memref<10240x128xf32, #tpu.memory_space<vmem_shared>> -> memref<128x128xf32, #tpu.memory_space<vmem_shared>>
      tpu.enqueue_dma source(%arg9 : memref<128x128xf32, #tpu.memory_space<vmem>>) target(%dma_start3A_84 : memref<128x128xf32, #tpu.memory_space<vmem_shared>>) target_semaphore(%run_scoped3A : memref<!tpu.dma_semaphore, #tpu.memory_space<semaphore_mem>>)
      %dma_wait3A_85 = arith.constant 0 : i32
      %dma_wait3A_86 = tpu.memref_slice %arg6[%add3A_9, %dma_wait3A_85] : memref<10240x128xf32, #tpu.memory_space<vmem_shared>> -> memref<128x128xf32, #tpu.memory_space<vmem_shared>>
      %dma_wait3A_87 = arith.constant 0 : i32
      %dma_wait3A_88 = tpu.memref_slice %arg6[%add3A_9, %dma_wait3A_87] : memref<10240x128xf32, #tpu.memory_space<vmem_shared>> -> memref<128x128xf32, #tpu.memory_space<vmem_shared>>
      tpu.wait_dma2 semaphore(%run_scoped3A : memref<!tpu.dma_semaphore, #tpu.memory_space<semaphore_mem>>) src(%arg9 : memref<128x128xf32, #tpu.memory_space<vmem>>) dst(%dma_wait3A_88 : memref<128x128xf32, #tpu.memory_space<vmem_shared>>)
      tpu.yield
    }) : () -> ()
    %mul3A_10 = arith.constant 640 : i32
    %mul3A_11 = arith.muli %arg1, %mul3A_10 : i32
    %add3A_12 = arith.constant 128 : i32
    %add3A_13 = arith.addi %mul3A_11, %add3A_12 : i32
    "tpu.region"() ({
      %run_scoped3A = tpu.sem_alloc : memref<!tpu.dma_semaphore, #tpu.memory_space<semaphore_mem>>
      %dma_start3A_81 = arith.constant 0 : i32
      %dma_start3A_82 = tpu.memref_slice %arg6[%add3A_13, %dma_start3A_81] : memref<10240x128xf32, #tpu.memory_space<vmem_shared>> -> memref<128x128xf32, #tpu.memory_space<vmem_shared>>
      %dma_start3A_83 = arith.constant 0 : i32
      %dma_start3A_84 = tpu.memref_slice %arg6[%add3A_13, %dma_start3A_83] : memref<10240x128xf32, #tpu.memory_space<vmem_shared>> -> memref<128x128xf32, #tpu.memory_space<vmem_shared>>
      tpu.enqueue_dma source(%arg9 : memref<128x128xf32, #tpu.memory_space<vmem>>) target(%dma_start3A_84 : memref<128x128xf32, #tpu.memory_space<vmem_shared>>) target_semaphore(%run_scoped3A : memref<!tpu.dma_semaphore, #tpu.memory_space<semaphore_mem>>)
      %dma_wait3A_85 = arith.constant 0 : i32
      %dma_wait3A_86 = tpu.memref_slice %arg6[%add3A_13, %dma_wait3A_85] : memref<10240x128xf32, #tpu.memory_space<vmem_shared>> -> memref<128x128xf32, #tpu.memory_space<vmem_shared>>
      %dma_wait3A_87 = arith.constant 0 : i32
      %dma_wait3A_88 = tpu.memref_slice %arg6[%add3A_13, %dma_wait3A_87] : memref<10240x128xf32, #tpu.memory_space<vmem_shared>> -> memref<128x128xf32, #tpu.memory_space<vmem_shared>>
      tpu.wait_dma2 semaphore(%run_scoped3A : memref<!tpu.dma_semaphore, #tpu.memory_space<semaphore_mem>>) src(%arg9 : memref<128x128xf32, #tpu.memory_space<vmem>>) dst(%dma_wait3A_88 : memref<128x128xf32, #tpu.memory_space<vmem_shared>>)
      tpu.yield
    }) : () -> ()
    %mul3A_14 = arith.constant 640 : i32
    %mul3A_15 = arith.muli %arg1, %mul3A_14 : i32
    %add3A_16 = arith.constant 256 : i32
    %add3A_17 = arith.addi %mul3A_15, %add3A_16 : i32
    "tpu.region"() ({
      %run_scoped3A = tpu.sem_alloc : memref<!tpu.dma_semaphore, #tpu.memory_space<semaphore_mem>>
      %dma_start3A_81 = arith.constant 0 : i32
      %dma_start3A_82 = tpu.memref_slice %arg6[%add3A_17, %dma_start3A_81] : memref<10240x128xf32, #tpu.memory_space<vmem_shared>> -> memref<128x128xf32, #tpu.memory_space<vmem_shared>>
      %dma_start3A_83 = arith.constant 0 : i32
      %dma_start3A_84 = tpu.memref_slice %arg6[%add3A_17, %dma_start3A_83] : memref<10240x128xf32, #tpu.memory_space<vmem_shared>> -> memref<128x128xf32, #tpu.memory_space<vmem_shared>>
      tpu.enqueue_dma source(%arg9 : memref<128x128xf32, #tpu.memory_space<vmem>>) target(%dma_start3A_84 : memref<128x128xf32, #tpu.memory_space<vmem_shared>>) target_semaphore(%run_scoped3A : memref<!tpu.dma_semaphore, #tpu.memory_space<semaphore_mem>>)
      %dma_wait3A_85 = arith.constant 0 : i32
      %dma_wait3A_86 = tpu.memref_slice %arg6[%add3A_17, %dma_wait3A_85] : memref<10240x128xf32, #tpu.memory_space<vmem_shared>> -> memref<128x128xf32, #tpu.memory_space<vmem_shared>>
      %dma_wait3A_87 = arith.constant 0 : i32
      %dma_wait3A_88 = tpu.memref_slice %arg6[%add3A_17, %dma_wait3A_87] : memref<10240x128xf32, #tpu.memory_space<vmem_shared>> -> memref<128x128xf32, #tpu.memory_space<vmem_shared>>
      tpu.wait_dma2 semaphore(%run_scoped3A : memref<!tpu.dma_semaphore, #tpu.memory_space<semaphore_mem>>) src(%arg9 : memref<128x128xf32, #tpu.memory_space<vmem>>) dst(%dma_wait3A_88 : memref<128x128xf32, #tpu.memory_space<vmem_shared>>)
      tpu.yield
    }) : () -> ()
    %mul3A_18 = arith.constant 640 : i32
    %mul3A_19 = arith.muli %arg1, %mul3A_18 : i32
    %add3A_20 = arith.constant 384 : i32
    %add3A_21 = arith.addi %mul3A_19, %add3A_20 : i32
    "tpu.region"() ({
      %run_scoped3A = tpu.sem_alloc : memref<!tpu.dma_semaphore, #tpu.memory_space<semaphore_mem>>
      %dma_start3A_81 = arith.constant 0 : i32
      %dma_start3A_82 = tpu.memref_slice %arg6[%add3A_21, %dma_start3A_81] : memref<10240x128xf32, #tpu.memory_space<vmem_shared>> -> memref<128x128xf32, #tpu.memory_space<vmem_shared>>
      %dma_start3A_83 = arith.constant 0 : i32
      %dma_start3A_84 = tpu.memref_slice %arg6[%add3A_21, %dma_start3A_83] : memref<10240x128xf32, #tpu.memory_space<vmem_shared>> -> memref<128x128xf32, #tpu.memory_space<vmem_shared>>
      tpu.enqueue_dma source(%arg9 : memref<128x128xf32, #tpu.memory_space<vmem>>) target(%dma_start3A_84 : memref<128x128xf32, #tpu.memory_space<vmem_shared>>) target_semaphore(%run_scoped3A : memref<!tpu.dma_semaphore, #tpu.memory_space<semaphore_mem>>)
      %dma_wait3A_85 = arith.constant 0 : i32
      %dma_wait3A_86 = tpu.memref_slice %arg6[%add3A_21, %dma_wait3A_85] : memref<10240x128xf32, #tpu.memory_space<vmem_shared>> -> memref<128x128xf32, #tpu.memory_space<vmem_shared>>
      %dma_wait3A_87 = arith.constant 0 : i32
      %dma_wait3A_88 = tpu.memref_slice %arg6[%add3A_21, %dma_wait3A_87] : memref<10240x128xf32, #tpu.memory_space<vmem_shared>> -> memref<128x128xf32, #tpu.memory_space<vmem_shared>>
      tpu.wait_dma2 semaphore(%run_scoped3A : memref<!tpu.dma_semaphore, #tpu.memory_space<semaphore_mem>>) src(%arg9 : memref<128x128xf32, #tpu.memory_space<vmem>>) dst(%dma_wait3A_88 : memref<128x128xf32, #tpu.memory_space<vmem_shared>>)
      tpu.yield
    }) : () -> ()
    %mul3A_22 = arith.constant 640 : i32
    %mul3A_23 = arith.muli %arg1, %mul3A_22 : i32
    %add3A_24 = arith.constant 512 : i32
    %add3A_25 = arith.addi %mul3A_23, %add3A_24 : i32
    "tpu.region"() ({
      %run_scoped3A = tpu.sem_alloc : memref<!tpu.dma_semaphore, #tpu.memory_space<semaphore_mem>>
      %dma_start3A_81 = arith.constant 0 : i32
      %dma_start3A_82 = tpu.memref_slice %arg6[%add3A_25, %dma_start3A_81] : memref<10240x128xf32, #tpu.memory_space<vmem_shared>> -> memref<128x128xf32, #tpu.memory_space<vmem_shared>>
      %dma_start3A_83 = arith.constant 0 : i32
      %dma_start3A_84 = tpu.memref_slice %arg6[%add3A_25, %dma_start3A_83] : memref<10240x128xf32, #tpu.memory_space<vmem_shared>> -> memref<128x128xf32, #tpu.memory_space<vmem_shared>>
      tpu.enqueue_dma source(%arg9 : memref<128x128xf32, #tpu.memory_space<vmem>>) target(%dma_start3A_84 : memref<128x128xf32, #tpu.memory_space<vmem_shared>>) target_semaphore(%run_scoped3A : memref<!tpu.dma_semaphore, #tpu.memory_space<semaphore_mem>>)
      %dma_wait3A_85 = arith.constant 0 : i32
      %dma_wait3A_86 = tpu.memref_slice %arg6[%add3A_25, %dma_wait3A_85] : memref<10240x128xf32, #tpu.memory_space<vmem_shared>> -> memref<128x128xf32, #tpu.memory_space<vmem_shared>>
      %dma_wait3A_87 = arith.constant 0 : i32
      %dma_wait3A_88 = tpu.memref_slice %arg6[%add3A_25, %dma_wait3A_87] : memref<10240x128xf32, #tpu.memory_space<vmem_shared>> -> memref<128x128xf32, #tpu.memory_space<vmem_shared>>
      tpu.wait_dma2 semaphore(%run_scoped3A : memref<!tpu.dma_semaphore, #tpu.memory_space<semaphore_mem>>) src(%arg9 : memref<128x128xf32, #tpu.memory_space<vmem>>) dst(%dma_wait3A_88 : memref<128x128xf32, #tpu.memory_space<vmem_shared>>)
      tpu.yield
    }) : () -> ()
    %barrier3A = arith.constant 0 : index
    tpu.barrier barrier_id(%barrier3A)
    %mul3A_26 = arith.constant 80 : i32
    %mul3A_27 = arith.muli %add3A, %mul3A_26 : i32
    "tpu.region"() ({
      %run_scoped3A = tpu.sem_alloc : memref<!tpu.dma_semaphore, #tpu.memory_space<semaphore_mem>>
      %dma_start3A_81 = arith.constant 0 : i32
      %dma_start3A_82 = arith.constant 0 : i32
      %dma_start3A_83 = tpu.memref_slice %arg7[%dma_start3A_81, %dma_start3A_82] : memref<88x128xi32, #tpu.memory_space<vmem>> -> memref<80x128xi32, #tpu.memory_space<vmem>>
      %dma_start3A_84 = arith.constant 0 : i32
      %dma_start3A_85 = tpu.memref_slice %arg3[%mul3A_27, %dma_start3A_84] : memref<2560x128xi32, #tpu.memory_space<hbm>> -> memref<80x128xi32, #tpu.memory_space<hbm>>
      %dma_start3A_86 = arith.constant 0 : i32
      %dma_start3A_87 = arith.constant 0 : i32
      %dma_start3A_88 = tpu.memref_slice %arg7[%dma_start3A_86, %dma_start3A_87] : memref<88x128xi32, #tpu.memory_space<vmem>> -> memref<80x128xi32, #tpu.memory_space<vmem>>
      %dma_start3A_89 = arith.constant 0 : i32
      %dma_start3A_90 = tpu.memref_slice %arg3[%mul3A_27, %dma_start3A_89] : memref<2560x128xi32, #tpu.memory_space<hbm>> -> memref<80x128xi32, #tpu.memory_space<hbm>>
      tpu.enqueue_dma source(%dma_start3A_90 : memref<80x128xi32, #tpu.memory_space<hbm>>) target(%dma_start3A_88 : memref<80x128xi32, #tpu.memory_space<vmem>>) target_semaphore(%run_scoped3A : memref<!tpu.dma_semaphore, #tpu.memory_space<semaphore_mem>>)
      %dma_wait3A_91 = arith.constant 0 : i32
      %dma_wait3A_92 = arith.constant 0 : i32
      %dma_wait3A_93 = tpu.memref_slice %arg7[%dma_wait3A_91, %dma_wait3A_92] : memref<88x128xi32, #tpu.memory_space<vmem>> -> memref<80x128xi32, #tpu.memory_space<vmem>>
      %dma_wait3A_94 = arith.constant 0 : i32
      %dma_wait3A_95 = tpu.memref_slice %arg3[%mul3A_27, %dma_wait3A_94] : memref<2560x128xi32, #tpu.memory_space<hbm>> -> memref<80x128xi32, #tpu.memory_space<hbm>>
      %dma_wait3A_96 = arith.constant 0 : i32
      %dma_wait3A_97 = arith.constant 0 : i32
      %dma_wait3A_98 = tpu.memref_slice %arg7[%dma_wait3A_96, %dma_wait3A_97] : memref<88x128xi32, #tpu.memory_space<vmem>> -> memref<80x128xi32, #tpu.memory_space<vmem>>
      %dma_wait3A_99 = arith.constant 0 : i32
      %dma_wait3A_100 = tpu.memref_slice %arg3[%mul3A_27, %dma_wait3A_99] : memref<2560x128xi32, #tpu.memory_space<hbm>> -> memref<80x128xi32, #tpu.memory_space<hbm>>
      tpu.wait_dma2 semaphore(%run_scoped3A : memref<!tpu.dma_semaphore, #tpu.memory_space<semaphore_mem>>) src(%dma_wait3A_100 : memref<80x128xi32, #tpu.memory_space<hbm>>) dst(%dma_wait3A_98 : memref<80x128xi32, #tpu.memory_space<vmem>>)
      tpu.yield
    }) : () -> ()
    %mul3A_28 = arith.constant 80 : i32
    %mul3A_29 = arith.muli %add3A, %mul3A_28 : i32
    "tpu.region"() ({
      %run_scoped3A = tpu.sem_alloc : memref<!tpu.dma_semaphore, #tpu.memory_space<semaphore_mem>>
      %dma_start3A_81 = arith.constant 80 : i32
      %dma_start3A_82 = arith.constant 0 : i32
      %dma_start3A_83 = tpu.memref_slice %arg7[%dma_start3A_81, %dma_start3A_82] : memref<88x128xi32, #tpu.memory_space<vmem>> -> memref<8x128xi32, #tpu.memory_space<vmem>>
      %dma_start3A_84 = arith.constant 0 : i32
      %dma_start3A_85 = tpu.memref_slice %arg3[%mul3A_29, %dma_start3A_84] : memref<2560x128xi32, #tpu.memory_space<hbm>> -> memref<8x128xi32, #tpu.memory_space<hbm>>
      %dma_start3A_86 = arith.constant 80 : i32
      %dma_start3A_87 = arith.constant 0 : i32
      %dma_start3A_88 = tpu.memref_slice %arg7[%dma_start3A_86, %dma_start3A_87] : memref<88x128xi32, #tpu.memory_space<vmem>> -> memref<8x128xi32, #tpu.memory_space<vmem>>
      %dma_start3A_89 = arith.constant 0 : i32
      %dma_start3A_90 = tpu.memref_slice %arg3[%mul3A_29, %dma_start3A_89] : memref<2560x128xi32, #tpu.memory_space<hbm>> -> memref<8x128xi32, #tpu.memory_space<hbm>>
      tpu.enqueue_dma source(%dma_start3A_90 : memref<8x128xi32, #tpu.memory_space<hbm>>) target(%dma_start3A_88 : memref<8x128xi32, #tpu.memory_space<vmem>>) target_semaphore(%run_scoped3A : memref<!tpu.dma_semaphore, #tpu.memory_space<semaphore_mem>>)
      %dma_wait3A_91 = arith.constant 80 : i32
      %dma_wait3A_92 = arith.constant 0 : i32
      %dma_wait3A_93 = tpu.memref_slice %arg7[%dma_wait3A_91, %dma_wait3A_92] : memref<88x128xi32, #tpu.memory_space<vmem>> -> memref<8x128xi32, #tpu.memory_space<vmem>>
      %dma_wait3A_94 = arith.constant 0 : i32
      %dma_wait3A_95 = tpu.memref_slice %arg3[%mul3A_29, %dma_wait3A_94] : memref<2560x128xi32, #tpu.memory_space<hbm>> -> memref<8x128xi32, #tpu.memory_space<hbm>>
      %dma_wait3A_96 = arith.constant 80 : i32
      %dma_wait3A_97 = arith.constant 0 : i32
      %dma_wait3A_98 = tpu.memref_slice %arg7[%dma_wait3A_96, %dma_wait3A_97] : memref<88x128xi32, #tpu.memory_space<vmem>> -> memref<8x128xi32, #tpu.memory_space<vmem>>
      %dma_wait3A_99 = arith.constant 0 : i32
      %dma_wait3A_100 = tpu.memref_slice %arg3[%mul3A_29, %dma_wait3A_99] : memref<2560x128xi32, #tpu.memory_space<hbm>> -> memref<8x128xi32, #tpu.memory_space<hbm>>
      tpu.wait_dma2 semaphore(%run_scoped3A : memref<!tpu.dma_semaphore, #tpu.memory_space<semaphore_mem>>) src(%dma_wait3A_100 : memref<8x128xi32, #tpu.memory_space<hbm>>) dst(%dma_wait3A_98 : memref<8x128xi32, #tpu.memory_space<vmem>>)
      tpu.yield
    }) : () -> ()
    %mul3A_30 = arith.constant 80 : i32
    %mul3A_31 = arith.muli %add3A, %mul3A_30 : i32
    "tpu.region"() ({
      %run_scoped3A = tpu.sem_alloc : memref<!tpu.dma_semaphore, #tpu.memory_space<semaphore_mem>>
      %dma_start3A_81 = arith.constant 0 : i32
      %dma_start3A_82 = tpu.memref_slice %arg4[%mul3A_31, %dma_start3A_81] : memref<2560x128xi32, #tpu.memory_space<hbm>> -> memref<80x128xi32, #tpu.memory_space<hbm>>
      %dma_start3A_83 = arith.constant 0 : i32
      %dma_start3A_84 = tpu.memref_slice %arg4[%mul3A_31, %dma_start3A_83] : memref<2560x128xi32, #tpu.memory_space<hbm>> -> memref<80x128xi32, #tpu.memory_space<hbm>>
      tpu.enqueue_dma source(%dma_start3A_84 : memref<80x128xi32, #tpu.memory_space<hbm>>) target(%arg8 : memref<80x128xi32, #tpu.memory_space<vmem>>) target_semaphore(%run_scoped3A : memref<!tpu.dma_semaphore, #tpu.memory_space<semaphore_mem>>)
      %dma_wait3A_85 = arith.constant 0 : i32
      %dma_wait3A_86 = tpu.memref_slice %arg4[%mul3A_31, %dma_wait3A_85] : memref<2560x128xi32, #tpu.memory_space<hbm>> -> memref<80x128xi32, #tpu.memory_space<hbm>>
      %dma_wait3A_87 = arith.constant 0 : i32
      %dma_wait3A_88 = tpu.memref_slice %arg4[%mul3A_31, %dma_wait3A_87] : memref<2560x128xi32, #tpu.memory_space<hbm>> -> memref<80x128xi32, #tpu.memory_space<hbm>>
      tpu.wait_dma2 semaphore(%run_scoped3A : memref<!tpu.dma_semaphore, #tpu.memory_space<semaphore_mem>>) src(%dma_wait3A_88 : memref<80x128xi32, #tpu.memory_space<hbm>>) dst(%arg8 : memref<80x128xi32, #tpu.memory_space<vmem>>)
      tpu.yield
    }) : () -> ()
    %dma_start3A = arith.constant 0 : i32
    %dma_start3A_32 = arith.constant 0 : i32
    %dma_start3A_33 = arith.constant 0 : i32
    %dma_start3A_34 = tpu.memref_slice %arg9[%dma_start3A_32, %dma_start3A_33] : memref<128x128xf32, #tpu.memory_space<vmem>> -> memref<64x128xf32, #tpu.memory_space<vmem>>
    %dma_start3A_35 = arith.constant 0 : i32
    %dma_start3A_36 = tpu.memref_slice %arg7[%dma_start3A, %dma_start3A_35] : memref<88x128xi32, #tpu.memory_space<vmem>> -> memref<1x64xi32, #tpu.memory_space<vmem>>
    %dma_start3A_37 = tpu.memref_squeeze %dma_start3A_36 : memref<1x64xi32, #tpu.memory_space<vmem>> -> memref<64xi32, #tpu.memory_space<vmem>>
    %dma_start3A_38 = arith.constant 0 : i32
    %dma_start3A_39 = arith.constant 0 : i32
    %dma_start3A_40 = tpu.memref_slice %arg2[%dma_start3A_38, %dma_start3A_39] : memref<10000x128xf32, #tpu.memory_space<hbm>> -> memref<10000x128xf32, #tpu.memory_space<hbm>>
    tpu.enqueue_indirect_dma source(%dma_start3A_40 : memref<10000x128xf32, #tpu.memory_space<hbm>>) target(%dma_start3A_34 : memref<64x128xf32, #tpu.memory_space<vmem>>) offsets(%dma_start3A_37 : memref<64xi32, #tpu.memory_space<vmem>>) semaphore(%arg10 : memref<!tpu.dma_semaphore, #tpu.memory_space<semaphore_mem>>)
    %dma_start3A_41 = arith.constant 0 : i32
    %dma_start3A_42 = arith.constant 64 : i32
    %dma_start3A_43 = arith.constant 0 : i32
    %dma_start3A_44 = tpu.memref_slice %arg9[%dma_start3A_42, %dma_start3A_43] : memref<128x128xf32, #tpu.memory_space<vmem>> -> memref<64x128xf32, #tpu.memory_space<vmem>>
    %dma_start3A_45 = arith.constant 64 : i32
    %dma_start3A_46 = tpu.memref_slice %arg7[%dma_start3A_41, %dma_start3A_45] : memref<88x128xi32, #tpu.memory_space<vmem>> -> memref<1x64xi32, #tpu.memory_space<vmem>>
    %dma_start3A_47 = tpu.memref_squeeze %dma_start3A_46 : memref<1x64xi32, #tpu.memory_space<vmem>> -> memref<64xi32, #tpu.memory_space<vmem>>
    %dma_start3A_48 = arith.constant 0 : i32
    %dma_start3A_49 = arith.constant 0 : i32
    %dma_start3A_50 = tpu.memref_slice %arg2[%dma_start3A_48, %dma_start3A_49] : memref<10000x128xf32, #tpu.memory_space<hbm>> -> memref<10000x128xf32, #tpu.memory_space<hbm>>
    tpu.enqueue_indirect_dma source(%dma_start3A_50 : memref<10000x128xf32, #tpu.memory_space<hbm>>) target(%dma_start3A_44 : memref<64x128xf32, #tpu.memory_space<vmem>>) offsets(%dma_start3A_47 : memref<64xi32, #tpu.memory_space<vmem>>) semaphore(%arg11 : memref<!tpu.dma_semaphore, #tpu.memory_space<semaphore_mem>>)
    %scan3A_51 = arith.constant 0 : i32
    %scan3A_52 = arith.constant 0 : i32
    %scan3A_53 = arith.constant 80 : i32
    %scan3A_54 = arith.addi %scan3A_52, %scan3A_53 : i32
    %scan3A_55 = arith.constant 1 : i32
    scf.for %scan3A_81 = %scan3A_52 to %scan3A_54 step %scan3A_55  : i32 {
      %dma_wait3A_82 = arith.constant 0 : i32
      %dma_wait3A_83 = arith.constant 0 : i32
      %dma_wait3A_84 = tpu.memref_slice %arg9[%dma_wait3A_82, %dma_wait3A_83] : memref<128x128xf32, #tpu.memory_space<vmem>> -> memref<64x128xf32, #tpu.memory_space<vmem>>
      %dma_wait3A_85 = arith.constant 0 : i32
      %dma_wait3A_86 = tpu.memref_slice %arg7[%scan3A_81, %dma_wait3A_85] : memref<88x128xi32, #tpu.memory_space<vmem>> -> memref<1x64xi32, #tpu.memory_space<vmem>>
      %dma_wait3A_87 = tpu.memref_squeeze %dma_wait3A_86 : memref<1x64xi32, #tpu.memory_space<vmem>> -> memref<64xi32, #tpu.memory_space<vmem>>
      %dma_wait3A_88 = arith.constant 0 : i32
      %dma_wait3A_89 = arith.constant 0 : i32
      %dma_wait3A_90 = tpu.memref_slice %arg2[%dma_wait3A_88, %dma_wait3A_89] : memref<10000x128xf32, #tpu.memory_space<hbm>> -> memref<10000x128xf32, #tpu.memory_space<hbm>>
      tpu.wait_indirect_dma semaphore(%arg10 : memref<!tpu.dma_semaphore, #tpu.memory_space<semaphore_mem>>) src(%dma_wait3A_90 : memref<10000x128xf32, #tpu.memory_space<hbm>>) dst(%dma_wait3A_84 : memref<64x128xf32, #tpu.memory_space<vmem>>)
      %dma_wait3A_91 = arith.constant 64 : i32
      %dma_wait3A_92 = arith.constant 0 : i32
      %dma_wait3A_93 = tpu.memref_slice %arg9[%dma_wait3A_91, %dma_wait3A_92] : memref<128x128xf32, #tpu.memory_space<vmem>> -> memref<64x128xf32, #tpu.memory_space<vmem>>
      %dma_wait3A_94 = arith.constant 64 : i32
      %dma_wait3A_95 = tpu.memref_slice %arg7[%scan3A_81, %dma_wait3A_94] : memref<88x128xi32, #tpu.memory_space<vmem>> -> memref<1x64xi32, #tpu.memory_space<vmem>>
      %dma_wait3A_96 = tpu.memref_squeeze %dma_wait3A_95 : memref<1x64xi32, #tpu.memory_space<vmem>> -> memref<64xi32, #tpu.memory_space<vmem>>
      %dma_wait3A_97 = arith.constant 0 : i32
      %dma_wait3A_98 = arith.constant 0 : i32
      %dma_wait3A_99 = tpu.memref_slice %arg2[%dma_wait3A_97, %dma_wait3A_98] : memref<10000x128xf32, #tpu.memory_space<hbm>> -> memref<10000x128xf32, #tpu.memory_space<hbm>>
      tpu.wait_indirect_dma semaphore(%arg11 : memref<!tpu.dma_semaphore, #tpu.memory_space<semaphore_mem>>) src(%dma_wait3A_99 : memref<10000x128xf32, #tpu.memory_space<hbm>>) dst(%dma_wait3A_93 : memref<64x128xf32, #tpu.memory_space<vmem>>)
      "tpu.region"() ({
        %run_scoped3A = tpu.sem_alloc : memref<!tpu.dma_semaphore, #tpu.memory_space<semaphore_mem>>
        %dma_start3A_122 = arith.constant 0 : i32
        %dma_start3A_123 = tpu.memref_slice %arg8[%scan3A_81, %dma_start3A_122] : memref<80x128xi32, #tpu.memory_space<vmem>> -> memref<1x128xi32, #tpu.memory_space<vmem>>
        %dma_start3A_124 = tpu.memref_squeeze %dma_start3A_123 : memref<1x128xi32, #tpu.memory_space<vmem>> -> memref<128xi32, #tpu.memory_space<vmem>>
        %dma_start3A_125 = arith.constant 0 : i32
        %dma_start3A_126 = arith.constant 0 : i32
        %dma_start3A_127 = tpu.memref_slice %arg6[%dma_start3A_125, %dma_start3A_126] : memref<10240x128xf32, #tpu.memory_space<vmem_shared>> -> memref<10240x128xf32, #tpu.memory_space<vmem_shared>>
        tpu.enqueue_indirect_dma source(%arg9 : memref<128x128xf32, #tpu.memory_space<vmem>>) target(%dma_start3A_127 : memref<10240x128xf32, #tpu.memory_space<vmem_shared>>) offsets(%dma_start3A_124 : memref<128xi32, #tpu.memory_space<vmem>>) semaphore(%run_scoped3A : memref<!tpu.dma_semaphore, #tpu.memory_space<semaphore_mem>>) {add = true}
        %dma_wait3A_128 = arith.constant 0 : i32
        %dma_wait3A_129 = tpu.memref_slice %arg8[%scan3A_81, %dma_wait3A_128] : memref<80x128xi32, #tpu.memory_space<vmem>> -> memref<1x128xi32, #tpu.memory_space<vmem>>
        %dma_wait3A_130 = tpu.memref_squeeze %dma_wait3A_129 : memref<1x128xi32, #tpu.memory_space<vmem>> -> memref<128xi32, #tpu.memory_space<vmem>>
        %dma_wait3A_131 = arith.constant 0 : i32
        %dma_wait3A_132 = arith.constant 0 : i32
        %dma_wait3A_133 = tpu.memref_slice %arg6[%dma_wait3A_131, %dma_wait3A_132] : memref<10240x128xf32, #tpu.memory_space<vmem_shared>> -> memref<10240x128xf32, #tpu.memory_space<vmem_shared>>
        tpu.wait_indirect_dma semaphore(%run_scoped3A : memref<!tpu.dma_semaphore, #tpu.memory_space<semaphore_mem>>) src(%arg9 : memref<128x128xf32, #tpu.memory_space<vmem>>) dst(%dma_wait3A_133 : memref<10240x128xf32, #tpu.memory_space<vmem_shared>>)
        tpu.yield
      }) : () -> ()
      %add3A_100 = arith.constant 1 : i32
      %add3A_101 = arith.addi %scan3A_81, %add3A_100 : i32
      %dma_start3A_102 = arith.constant 0 : i32
      %dma_start3A_103 = arith.constant 0 : i32
      %dma_start3A_104 = tpu.memref_slice %arg9[%dma_start3A_102, %dma_start3A_103] : memref<128x128xf32, #tpu.memory_space<vmem>> -> memref<64x128xf32, #tpu.memory_space<vmem>>
      %dma_start3A_105 = arith.constant 0 : i32
      %dma_start3A_106 = tpu.memref_slice %arg7[%add3A_101, %dma_start3A_105] : memref<88x128xi32, #tpu.memory_space<vmem>> -> memref<1x64xi32, #tpu.memory_space<vmem>>
      %dma_start3A_107 = tpu.memref_squeeze %dma_start3A_106 : memref<1x64xi32, #tpu.memory_space<vmem>> -> memref<64xi32, #tpu.memory_space<vmem>>
      %dma_start3A_108 = arith.constant 0 : i32
      %dma_start3A_109 = arith.constant 0 : i32
      %dma_start3A_110 = tpu.memref_slice %arg2[%dma_start3A_108, %dma_start3A_109] : memref<10000x128xf32, #tpu.memory_space<hbm>> -> memref<10000x128xf32, #tpu.memory_space<hbm>>
      tpu.enqueue_indirect_dma source(%dma_start3A_110 : memref<10000x128xf32, #tpu.memory_space<hbm>>) target(%dma_start3A_104 : memref<64x128xf32, #tpu.memory_space<vmem>>) offsets(%dma_start3A_107 : memref<64xi32, #tpu.memory_space<vmem>>) semaphore(%arg10 : memref<!tpu.dma_semaphore, #tpu.memory_space<semaphore_mem>>)
      %add3A_111 = arith.constant 1 : i32
      %add3A_112 = arith.addi %scan3A_81, %add3A_111 : i32
      %dma_start3A_113 = arith.constant 64 : i32
      %dma_start3A_114 = arith.constant 0 : i32
      %dma_start3A_115 = tpu.memref_slice %arg9[%dma_start3A_113, %dma_start3A_114] : memref<128x128xf32, #tpu.memory_space<vmem>> -> memref<64x128xf32, #tpu.memory_space<vmem>>
      %dma_start3A_116 = arith.constant 64 : i32
      %dma_start3A_117 = tpu.memref_slice %arg7[%add3A_112, %dma_start3A_116] : memref<88x128xi32, #tpu.memory_space<vmem>> -> memref<1x64xi32, #tpu.memory_space<vmem>>
      %dma_start3A_118 = tpu.memref_squeeze %dma_start3A_117 : memref<1x64xi32, #tpu.memory_space<vmem>> -> memref<64xi32, #tpu.memory_space<vmem>>
      %dma_start3A_119 = arith.constant 0 : i32
      %dma_start3A_120 = arith.constant 0 : i32
      %dma_start3A_121 = tpu.memref_slice %arg2[%dma_start3A_119, %dma_start3A_120] : memref<10000x128xf32, #tpu.memory_space<hbm>> -> memref<10000x128xf32, #tpu.memory_space<hbm>>
      tpu.enqueue_indirect_dma source(%dma_start3A_121 : memref<10000x128xf32, #tpu.memory_space<hbm>>) target(%dma_start3A_115 : memref<64x128xf32, #tpu.memory_space<vmem>>) offsets(%dma_start3A_118 : memref<64xi32, #tpu.memory_space<vmem>>) semaphore(%arg11 : memref<!tpu.dma_semaphore, #tpu.memory_space<semaphore_mem>>)
    }
    %scan3A_56 = arith.constant 80 : i32
    %dma_wait3A = arith.constant 80 : i32
    %dma_wait3A_57 = arith.constant 0 : i32
    %dma_wait3A_58 = arith.constant 0 : i32
    %dma_wait3A_59 = tpu.memref_slice %arg9[%dma_wait3A_57, %dma_wait3A_58] : memref<128x128xf32, #tpu.memory_space<vmem>> -> memref<64x128xf32, #tpu.memory_space<vmem>>
    %dma_wait3A_60 = arith.constant 0 : i32
    %dma_wait3A_61 = tpu.memref_slice %arg7[%dma_wait3A, %dma_wait3A_60] : memref<88x128xi32, #tpu.memory_space<vmem>> -> memref<1x64xi32, #tpu.memory_space<vmem>>
    %dma_wait3A_62 = tpu.memref_squeeze %dma_wait3A_61 : memref<1x64xi32, #tpu.memory_space<vmem>> -> memref<64xi32, #tpu.memory_space<vmem>>
    %dma_wait3A_63 = arith.constant 0 : i32
    %dma_wait3A_64 = arith.constant 0 : i32
    %dma_wait3A_65 = tpu.memref_slice %arg2[%dma_wait3A_63, %dma_wait3A_64] : memref<10000x128xf32, #tpu.memory_space<hbm>> -> memref<10000x128xf32, #tpu.memory_space<hbm>>
    tpu.wait_indirect_dma semaphore(%arg10 : memref<!tpu.dma_semaphore, #tpu.memory_space<semaphore_mem>>) src(%dma_wait3A_65 : memref<10000x128xf32, #tpu.memory_space<hbm>>) dst(%dma_wait3A_59 : memref<64x128xf32, #tpu.memory_space<vmem>>)
    %dma_wait3A_66 = arith.constant 80 : i32
    %dma_wait3A_67 = arith.constant 64 : i32
    %dma_wait3A_68 = arith.constant 0 : i32
    %dma_wait3A_69 = tpu.memref_slice %arg9[%dma_wait3A_67, %dma_wait3A_68] : memref<128x128xf32, #tpu.memory_space<vmem>> -> memref<64x128xf32, #tpu.memory_space<vmem>>
    %dma_wait3A_70 = arith.constant 64 : i32
    %dma_wait3A_71 = tpu.memref_slice %arg7[%dma_wait3A_66, %dma_wait3A_70] : memref<88x128xi32, #tpu.memory_space<vmem>> -> memref<1x64xi32, #tpu.memory_space<vmem>>
    %dma_wait3A_72 = tpu.memref_squeeze %dma_wait3A_71 : memref<1x64xi32, #tpu.memory_space<vmem>> -> memref<64xi32, #tpu.memory_space<vmem>>
    %dma_wait3A_73 = arith.constant 0 : i32
    %dma_wait3A_74 = arith.constant 0 : i32
    %dma_wait3A_75 = tpu.memref_slice %arg2[%dma_wait3A_73, %dma_wait3A_74] : memref<10000x128xf32, #tpu.memory_space<hbm>> -> memref<10000x128xf32, #tpu.memory_space<hbm>>
    tpu.wait_indirect_dma semaphore(%arg11 : memref<!tpu.dma_semaphore, #tpu.memory_space<semaphore_mem>>) src(%dma_wait3A_75 : memref<10000x128xf32, #tpu.memory_space<hbm>>) dst(%dma_wait3A_69 : memref<64x128xf32, #tpu.memory_space<vmem>>)
    %barrier3A_76 = arith.constant 0 : index
    tpu.barrier barrier_id(%barrier3A_76)
    %mul3A_77 = arith.constant 640 : i32
    %mul3A_78 = arith.muli %arg1, %mul3A_77 : i32
    %mul3A_79 = arith.constant 640 : i32
    %mul3A_80 = arith.muli %arg1, %mul3A_79 : i32
    "tpu.region"() ({
      %run_scoped3A = tpu.sem_alloc : memref<!tpu.dma_semaphore, #tpu.memory_space<semaphore_mem>>
      %dma_start3A_81 = arith.constant 0 : i32
      %dma_start3A_82 = tpu.memref_slice %arg5[%arg0, %mul3A_80, %dma_start3A_81] : memref<2x10240x128xf32, #tpu.memory_space<hbm>> -> memref<1x640x128xf32, #tpu.memory_space<hbm>>
      %dma_start3A_83 = tpu.memref_squeeze %dma_start3A_82 : memref<1x640x128xf32, #tpu.memory_space<hbm>> -> memref<640x128xf32, #tpu.memory_space<hbm>>
      %dma_start3A_84 = arith.constant 0 : i32
      %dma_start3A_85 = tpu.memref_slice %arg6[%mul3A_78, %dma_start3A_84] : memref<10240x128xf32, #tpu.memory_space<vmem_shared>> -> memref<640x128xf32, #tpu.memory_space<vmem_shared>>
      tpu.enqueue_dma source(%dma_start3A_85 : memref<640x128xf32, #tpu.memory_space<vmem_shared>>) target(%dma_start3A_83 : memref<640x128xf32, #tpu.memory_space<hbm>>) target_semaphore(%run_scoped3A : memref<!tpu.dma_semaphore, #tpu.memory_space<semaphore_mem>>)
      %dma_wait3A_86 = arith.constant 0 : i32
      %dma_wait3A_87 = tpu.memref_slice %arg5[%arg0, %mul3A_80, %dma_wait3A_86] : memref<2x10240x128xf32, #tpu.memory_space<hbm>> -> memref<1x640x128xf32, #tpu.memory_space<hbm>>
      %dma_wait3A_88 = tpu.memref_squeeze %dma_wait3A_87 : memref<1x640x128xf32, #tpu.memory_space<hbm>> -> memref<640x128xf32, #tpu.memory_space<hbm>>
      %dma_wait3A_89 = arith.constant 0 : i32
      %dma_wait3A_90 = tpu.memref_slice %arg6[%mul3A_78, %dma_wait3A_89] : memref<10240x128xf32, #tpu.memory_space<vmem_shared>> -> memref<640x128xf32, #tpu.memory_space<vmem_shared>>
      tpu.wait_dma2 semaphore(%run_scoped3A : memref<!tpu.dma_semaphore, #tpu.memory_space<semaphore_mem>>) src(%dma_wait3A_90 : memref<640x128xf32, #tpu.memory_space<vmem_shared>>) dst(%dma_wait3A_88 : memref<640x128xf32, #tpu.memory_space<hbm>>)
      tpu.yield
    }) : () -> ()
    return
  }
}

module attributes {stable_mosaic.version = 14 : i64} {
  func.func @_embed_body(%arg0: i32, %arg1: memref<2000x128xf32, #tpu.memory_space<vmem>>, %arg2: memref<128x128xf32, #tpu.memory_space<vmem>>, %arg3: memref<1x128xf32, #tpu.memory_space<vmem>>, %arg4: memref<128x128xf32, #tpu.memory_space<vmem>>, %arg5: memref<2000x1xf32, #tpu.memory_space<vmem>>, %arg6: memref<2000x1xf32, #tpu.memory_space<vmem>>, %arg7: memref<2000x128xf32, #tpu.memory_space<vmem>>) attributes {dimension_semantics = [#tpu.dimension_semantics<arbitrary>], iteration_bounds = array<i64: 5>, scalar_prefetch = 0 : i64, scratch_operands = 0 : i64, tpu.core_type = #tpu.core_type<tc>, window_params = [{transform_indices = @transform_0, window_bounds = array<i64: 2000, 128>}, {pipeline_mode = #tpu.pipeline_mode<synchronous>, transform_indices = @transform_1, window_bounds = array<i64: 128, 128>}, {pipeline_mode = #tpu.pipeline_mode<synchronous>, transform_indices = @transform_2, window_bounds = array<i64: 1, 128>}, {pipeline_mode = #tpu.pipeline_mode<synchronous>, transform_indices = @transform_3, window_bounds = array<i64: 128, 128>}, {transform_indices = @transform_4, window_bounds = array<i64: 2000, 1>}, {transform_indices = @transform_5, window_bounds = array<i64: 2000, 1>}, {transform_indices = @transform_6, window_bounds = array<i64: 2000, 128>}]} {
    %get3A = arith.constant 0 : index
    %get3A_0 = arith.constant 0 : index
    %get3A_1 = vector.load %arg5[%get3A, %get3A_0] : memref<2000x1xf32, #tpu.memory_space<vmem>>, vector<2000x1xf32>
    %get3A_2 = arith.constant 0 : index
    %get3A_3 = arith.constant 0 : index
    %get3A_4 = vector.load %arg6[%get3A_2, %get3A_3] : memref<2000x1xf32, #tpu.memory_space<vmem>>, vector<2000x1xf32>
    %add3A = arith.addf %get3A_1, %get3A_4 : vector<2000x1xf32>
    %add3A_5 = arith.constant 1.000000e+00 : f32
    %add3A_6 = vector.broadcast %add3A_5 : f32 to vector<2000x1xf32>
    %add3A_7 = arith.addf %add3A, %add3A_6 : vector<2000x1xf32>
    %rsqrt3A = math.rsqrt %add3A_7 : vector<2000x1xf32>
    %get3A_8 = arith.constant 0 : index
    %get3A_9 = arith.constant 0 : index
    %get3A_10 = vector.load %arg1[%get3A_8, %get3A_9] : memref<2000x128xf32, #tpu.memory_space<vmem>>, vector<2000x128xf32>
    %get3A_11 = arith.constant 0 : index
    %get3A_12 = arith.constant 0 : index
    %get3A_13 = vector.load %arg2[%get3A_11, %get3A_12] : memref<128x128xf32, #tpu.memory_space<vmem>>, vector<128x128xf32>
    %dot_general3A = arith.constant dense<0.000000e+00> : vector<2000x128xf32>
    %dot_general3A_14 = tpu.matmul %get3A_10, %get3A_13, %dot_general3A {dimension_numbers = #tpu.dot_dimension_numbers<[1], [0], [0], [1], [0, 0, 1, 1], [], []>, precision = #tpu.contract_precision<fp32>, transpose_lhs_hint = false} : vector<2000x128xf32>, vector<128x128xf32>, vector<2000x128xf32> -> vector<2000x128xf32>
    %get3A_15 = arith.constant 0 : index
    %get3A_16 = arith.constant 0 : index
    %get3A_17 = vector.load %arg3[%get3A_15, %get3A_16] : memref<1x128xf32, #tpu.memory_space<vmem>>, vector<1x128xf32>
    %add3A_18 = vector.broadcast %get3A_17 : vector<1x128xf32> to vector<2000x128xf32>
    %add3A_19 = arith.addf %dot_general3A_14, %add3A_18 : vector<2000x128xf32>
    %get3A_20 = arith.constant 0 : index
    %get3A_21 = arith.constant 0 : index
    %get3A_22 = vector.load %arg4[%get3A_20, %get3A_21] : memref<128x128xf32, #tpu.memory_space<vmem>>, vector<128x128xf32>
    %dot_general3A_23 = arith.constant dense<0.000000e+00> : vector<2000x128xf32>
    %dot_general3A_24 = tpu.matmul %add3A_19, %get3A_22, %dot_general3A_23 {dimension_numbers = #tpu.dot_dimension_numbers<[1], [0], [0], [1], [0, 0, 1, 1], [], []>, precision = #tpu.contract_precision<fp32>, transpose_lhs_hint = false} : vector<2000x128xf32>, vector<128x128xf32>, vector<2000x128xf32> -> vector<2000x128xf32>
    %mul3A = vector.broadcast %rsqrt3A : vector<2000x1xf32> to vector<2000x128xf32>
    %mul3A_25 = arith.mulf %mul3A, %dot_general3A_24 : vector<2000x128xf32>
    %swap3A = arith.constant 0 : index
    %swap3A_26 = arith.constant 0 : index
    %swap3A_27 = vector.load %arg7[%swap3A, %swap3A_26] : memref<2000x128xf32, #tpu.memory_space<vmem>>, vector<2000x128xf32>
    tpu.vector_store %arg7[%swap3A, %swap3A_26], %mul3A_25 {strides = array<i32>} : memref<2000x128xf32, #tpu.memory_space<vmem>>, vector<2000x128xf32>,
    return
  }
  func.func @transform_0(%arg0: i32) -> (i32, i32) {
    %c0_i32 = arith.constant 0 : i32
    %c0_i32_0 = arith.constant 0 : i32
    return %arg0, %c0_i32 : i32, i32
  }
  func.func @transform_1(%arg0: i32) -> (i32, i32) {
    %c0_i32 = arith.constant 0 : i32
    %c0_i32_0 = arith.constant 0 : i32
    %c0_i32_1 = arith.constant 0 : i32
    return %c0_i32, %c0_i32_0 : i32, i32
  }
  func.func @transform_2(%arg0: i32) -> (i32, i32) {
    %c0_i32 = arith.constant 0 : i32
    %c0_i32_0 = arith.constant 0 : i32
    %c0_i32_1 = arith.constant 0 : i32
    return %c0_i32, %c0_i32_0 : i32, i32
  }
  func.func @transform_3(%arg0: i32) -> (i32, i32) {
    %c0_i32 = arith.constant 0 : i32
    %c0_i32_0 = arith.constant 0 : i32
    %c0_i32_1 = arith.constant 0 : i32
    return %c0_i32, %c0_i32_0 : i32, i32
  }
  func.func @transform_4(%arg0: i32) -> (i32, i32) {
    %c0_i32 = arith.constant 0 : i32
    %c0_i32_0 = arith.constant 0 : i32
    return %arg0, %c0_i32 : i32, i32
  }
  func.func @transform_5(%arg0: i32) -> (i32, i32) {
    %c0_i32 = arith.constant 0 : i32
    %c0_i32_0 = arith.constant 0 : i32
    return %arg0, %c0_i32 : i32, i32
  }
  func.func @transform_6(%arg0: i32) -> (i32, i32) {
    %c0_i32 = arith.constant 0 : i32
    %c0_i32_0 = arith.constant 0 : i32
    return %arg0, %c0_i32 : i32, i32
  }
}

module attributes {stable_mosaic.version = 14 : i64} {
  func.func @_step_body(%arg0: i32, %arg1: memref<2x2000x128xf32, #tpu.memory_space<vmem>>, %arg2: memref<2000x128xf32, #tpu.memory_space<vmem>>, %arg3: memref<1x128xf32, #tpu.memory_space<vmem>>, %arg4: memref<128x128xf32, #tpu.memory_space<vmem>>, %arg5: memref<2000x1xf32, #tpu.memory_space<vmem>>, %arg6: memref<2000x1xf32, #tpu.memory_space<vmem>>, %arg7: memref<2000x128xf32, #tpu.memory_space<vmem>>, %arg8: memref<2000x128xf32, #tpu.memory_space<vmem>>) attributes {dimension_semantics = [#tpu.dimension_semantics<arbitrary>], iteration_bounds = array<i64: 5>, scalar_prefetch = 0 : i64, scratch_operands = 0 : i64, tpu.core_type = #tpu.core_type<tc>, window_params = [{transform_indices = @transform_0, window_bounds = array<i64: 2, 2000, 128>}, {transform_indices = @transform_1, window_bounds = array<i64: 2000, 128>}, {pipeline_mode = #tpu.pipeline_mode<synchronous>, transform_indices = @transform_2, window_bounds = array<i64: 1, 128>}, {pipeline_mode = #tpu.pipeline_mode<synchronous>, transform_indices = @transform_3, window_bounds = array<i64: 128, 128>}, {transform_indices = @transform_4, window_bounds = array<i64: 2000, 1>}, {transform_indices = @transform_5, window_bounds = array<i64: 2000, 1>}, {transform_indices = @transform_6, window_bounds = array<i64: 2000, 128>}, {transform_indices = @transform_7, window_bounds = array<i64: 2000, 128>}]} {
    %get3A = arith.constant 0 : index
    %get3A_0 = arith.constant 0 : index
    %get3A_1 = vector.load %arg5[%get3A, %get3A_0] : memref<2000x1xf32, #tpu.memory_space<vmem>>, vector<2000x1xf32>
    %get3A_2 = arith.constant 0 : index
    %get3A_3 = arith.constant 0 : index
    %get3A_4 = vector.load %arg6[%get3A_2, %get3A_3] : memref<2000x1xf32, #tpu.memory_space<vmem>>, vector<2000x1xf32>
    %add3A = arith.addf %get3A_1, %get3A_4 : vector<2000x1xf32>
    %add3A_5 = arith.constant 1.000000e+00 : f32
    %add3A_6 = vector.broadcast %add3A_5 : f32 to vector<2000x1xf32>
    %add3A_7 = arith.addf %add3A, %add3A_6 : vector<2000x1xf32>
    %rsqrt3A = math.rsqrt %add3A_7 : vector<2000x1xf32>
    %get3A_8 = arith.constant 0 : index
    %get3A_9 = arith.constant 0 : index
    %get3A_10 = arith.constant 0 : index
    %get3A_11 = vector.load %arg1[%get3A_8, %get3A_9, %get3A_10] : memref<2x2000x128xf32, #tpu.memory_space<vmem>>, vector<1x2000x128xf32>
    %get3A_12 = vector.shape_cast %get3A_11 : vector<1x2000x128xf32> to vector<2000x128xf32>
    %get3A_13 = arith.constant 1 : index
    %get3A_14 = arith.constant 0 : index
    %get3A_15 = arith.constant 0 : index
    %get3A_16 = vector.load %arg1[%get3A_13, %get3A_14, %get3A_15] : memref<2x2000x128xf32, #tpu.memory_space<vmem>>, vector<1x2000x128xf32>
    %get3A_17 = vector.shape_cast %get3A_16 : vector<1x2000x128xf32> to vector<2000x128xf32>
    %add3A_18 = arith.addf %get3A_12, %get3A_17 : vector<2000x128xf32>
    %get3A_19 = arith.constant 0 : index
    %get3A_20 = arith.constant 0 : index
    %get3A_21 = vector.load %arg2[%get3A_19, %get3A_20] : memref<2000x128xf32, #tpu.memory_space<vmem>>, vector<2000x128xf32>
    %add3A_22 = arith.addf %add3A_18, %get3A_21 : vector<2000x128xf32>
    %mul3A = vector.broadcast %rsqrt3A : vector<2000x1xf32> to vector<2000x128xf32>
    %mul3A_23 = arith.mulf %mul3A, %add3A_22 : vector<2000x128xf32>
    %get3A_24 = arith.constant 0 : index
    %get3A_25 = arith.constant 0 : index
    %get3A_26 = vector.load %arg3[%get3A_24, %get3A_25] : memref<1x128xf32, #tpu.memory_space<vmem>>, vector<1x128xf32>
    %add3A_27 = vector.broadcast %get3A_26 : vector<1x128xf32> to vector<2000x128xf32>
    %add3A_28 = arith.addf %mul3A_23, %add3A_27 : vector<2000x128xf32>
    %max3A = arith.constant 0.000000e+00 : f32
    %max3A_29 = vector.broadcast %max3A : f32 to vector<2000x128xf32>
    %max3A_30 = arith.maximumf %add3A_28, %max3A_29 : vector<2000x128xf32>
    %swap3A = arith.constant 0 : index
    %swap3A_31 = arith.constant 0 : index
    %swap3A_32 = vector.load %arg7[%swap3A, %swap3A_31] : memref<2000x128xf32, #tpu.memory_space<vmem>>, vector<2000x128xf32>
    tpu.vector_store %arg7[%swap3A, %swap3A_31], %max3A_30 {strides = array<i32>} : memref<2000x128xf32, #tpu.memory_space<vmem>>, vector<2000x128xf32>,
    %get3A_33 = arith.constant 0 : index
    %get3A_34 = arith.constant 0 : index
    %get3A_35 = vector.load %arg4[%get3A_33, %get3A_34] : memref<128x128xf32, #tpu.memory_space<vmem>>, vector<128x128xf32>
    %dot_general3A = arith.constant dense<0.000000e+00> : vector<2000x128xf32>
    %dot_general3A_36 = tpu.matmul %max3A_30, %get3A_35, %dot_general3A {dimension_numbers = #tpu.dot_dimension_numbers<[1], [0], [0], [1], [0, 0, 1, 1], [], []>, precision = #tpu.contract_precision<fp32>, transpose_lhs_hint = false} : vector<2000x128xf32>, vector<128x128xf32>, vector<2000x128xf32> -> vector<2000x128xf32>
    %mul3A_37 = vector.broadcast %rsqrt3A : vector<2000x1xf32> to vector<2000x128xf32>
    %mul3A_38 = arith.mulf %mul3A_37, %dot_general3A_36 : vector<2000x128xf32>
    %swap3A_39 = arith.constant 0 : index
    %swap3A_40 = arith.constant 0 : index
    %swap3A_41 = vector.load %arg8[%swap3A_39, %swap3A_40] : memref<2000x128xf32, #tpu.memory_space<vmem>>, vector<2000x128xf32>
    tpu.vector_store %arg8[%swap3A_39, %swap3A_40], %mul3A_38 {strides = array<i32>} : memref<2000x128xf32, #tpu.memory_space<vmem>>, vector<2000x128xf32>,
    return
  }
  func.func @transform_0(%arg0: i32) -> (i32, i32, i32) {
    %c0_i32 = arith.constant 0 : i32
    %c0_i32_0 = arith.constant 0 : i32
    %c0_i32_1 = arith.constant 0 : i32
    return %c0_i32, %arg0, %c0_i32_0 : i32, i32, i32
  }
  func.func @transform_1(%arg0: i32) -> (i32, i32) {
    %c0_i32 = arith.constant 0 : i32
    %c0_i32_0 = arith.constant 0 : i32
    return %arg0, %c0_i32 : i32, i32
  }
  func.func @transform_2(%arg0: i32) -> (i32, i32) {
    %c0_i32 = arith.constant 0 : i32
    %c0_i32_0 = arith.constant 0 : i32
    %c0_i32_1 = arith.constant 0 : i32
    return %c0_i32, %c0_i32_0 : i32, i32
  }
  func.func @transform_3(%arg0: i32) -> (i32, i32) {
    %c0_i32 = arith.constant 0 : i32
    %c0_i32_0 = arith.constant 0 : i32
    %c0_i32_1 = arith.constant 0 : i32
    return %c0_i32, %c0_i32_0 : i32, i32
  }
  func.func @transform_4(%arg0: i32) -> (i32, i32) {
    %c0_i32 = arith.constant 0 : i32
    %c0_i32_0 = arith.constant 0 : i32
    return %arg0, %c0_i32 : i32, i32
  }
  func.func @transform_5(%arg0: i32) -> (i32, i32) {
    %c0_i32 = arith.constant 0 : i32
    %c0_i32_0 = arith.constant 0 : i32
    return %arg0, %c0_i32 : i32, i32
  }
  func.func @transform_6(%arg0: i32) -> (i32, i32) {
    %c0_i32 = arith.constant 0 : i32
    %c0_i32_0 = arith.constant 0 : i32
    return %arg0, %c0_i32 : i32, i32
  }
  func.func @transform_7(%arg0: i32) -> (i32, i32) {
    %c0_i32 = arith.constant 0 : i32
    %c0_i32_0 = arith.constant 0 : i32
    return %arg0, %c0_i32 : i32, i32
  }
}

</mosaic_0001>

<sc_bundles>
// kernel: closed_call.24.cloned.1.call-start
scs
__scs_entry_jumppad:
0x0: {  	(pc) =	sbr.rel $0x88, $3  }
0x1: {  	(tag) =	ssettag $0x0;
	lr =	simm.s32 $0x1  }
0x2: {  	[smem:$0x3F97] =	sst lr;
	_ =	strace $0xD0000000  }
0x3: {  	_ = 	snop  }
0x4: {  	_ = 	snop  }
0x5: {  	_ = 	snop  }
0x6: {  	_ = 	snop  }
0x7: {  	_ = 	snop  }
__scs_overlays_trampoline_lowered:
0x8: {  	[smem:$0x3FA6] =	sst s0  }
0x9: {  	[smem:$0x3FA7] =	sst s1  }
0xa: {  	[smem:$0x3FA8] =	sst s2  }
0xb: {  	[smem:$0x3FA9] =	sst s3  }
0xc: {  	[smem:$0x3FAA] =	sst s4  }
0xd: {  	[smem:$0x3FAB] =	sst s5  }
0xe: {  	[smem:$0x3FAC] =	sst s6  }
0xf: {  	[smem:$0x3FAD] =	sst s7  }
0x10: {  	[smem:$0x3FAE] =	sst s8  }
0x11: {  	[smem:$0x3FAF] =	sst s9;
	s0 =	simm.s32 @!p0 $0x0  }
0x12: {  	s1 =	sld [smem:$0x3F95];
	s0 =	simm.s32 @p0 $0x1  }
0x13: {  	[smem:$0x3FB0] =	sst s0;
	s0 =	simm.s32 @!p1 $0x0  }
0x14: {  	s2 =	sld [smem:$0x3F94];
	s0 =	simm.s32 @p1 $0x1  }
0x15: {  	[smem:$0x3FB1] =	sst s0;
	s0 =	simm.s32 @!p2 $0x0  }
0x16: {  	s3 =	sld [smem:$0x3FDB];
	s0 =	simm.s32 @p2 $0x1  }
0x17: {  	s4 =	simm.s32 $0x1BF5;
	[smem:$0x3FB3] =	sst s0  }
0x18: {  	s0 =	sld [smem:$0x3F96];
	_ =	swait.ge [sflag:s4], $0x0  }
0x19: {  	s7 =	sld [smem:$0x3F97]  }
0x1a: {  	s8 =	sadd.s32 $0xFFFFE003, lr  }
0x1b: {  	s9 =	sadd.s32 $0xFFFFFEF7, lr;
	s5 =	simm.s32 $0xFFFFFFFF;
	p2 =	slt.u32 s8, $0xFFFFF086  }
0x1c: {  	p1 =	slt.u32 s9, $0xF7A;
	s5 =	simm.s32 @!p2 $0x0  }
0x1d: {  	s5 =	simm.s32 @p1 $0x1;
	p0 =	seq.s32 s7, s2  }
0x1e: {  	s7 =	smul.u32 @!p0 $0xF7A, s2;
	p2 =	seq.s32 @!p0 s5, $0x0  }
0x1f: {  	s9 =	smul.u32 $0xF7A, s1;
	s8 =	simm.s32 @!p0 $0x1BF5;
	p2 =	por !p2, p0  }
0x20: {  	[sflag:s8] =	ssyncset.s32 @!p0 $0xFFFFF086;
	s6 =	sadd.s32 @!p0 s3, s7;
	s7 =	simm.s32 @!p0 $0x108  }
0x21: {  	s3 =	sadd.s32 s3, s9;
	s6 =	sadd.s32 @!p0 $0x88, s6;
	s7 =	simm.s32 @p2 $0x1082  }
0x22: {  	[simem:s7], [sflag:s8] =	dma.local @!p0 [hbm:s6], $0xF7A  }
0x23: {  	s9 =	sor.u32 $0xD0000000, s2;
	s6 =	simm.s32 $0x108;
	_ =	swait.ge @!p0 [sflag:s8], $0x0  }
0x24: {  	s3 =	sadd.s32 $0x88, s3;
	s6 =	simm.s32 @!p1 $0x1082;
	[sflag:s4] =	ssyncset.s32 $0xFFFFF086  }
0x25: {  	[simem:s6], [sflag:s4] =	dma.local [hbm:s3], $0xF7A  }
0x26: {  	[smem:$0x3F97] =	sst s1;
	(tag) =	ssettag s2;
	_ =	strace s9  }
0x27: {  	s1 =	sld [smem:$0x3FA7]  }
0x28: {  	s2 =	sld [smem:$0x3FA8]  }
0x29: {  	s4 =	sld [smem:$0x3FAA]  }
0x2a: {  	p0 =	seq.s32 s5, $0x0;
	s5 =	sld [smem:$0x3FAB]  }
0x2b: {  	s6 =	sld [smem:$0x3FAC]  }
0x2c: {  	s7 =	sld [smem:$0x3FAD]  }
0x2d: {  	s3 =	simm.s32 $0x108;
	s8 =	sld [smem:$0x3FAE]  }
0x2e: {  	s3 =	simm.s32 @!p0 $0x1082;
	s9 =	sld [smem:$0x3FAF]  }
0x2f: {  	lr =	sadd.s32 s0, s3;
	s0 =	sld [smem:$0x3FA6]  }
0x30: {  	s3 =	sld [smem:$0x3FA9]  }
0x31: {  	[smem:$0x3FB2] =	sst s10  }
0x32: {  	s10 =	sld [smem:$0x3FB0];
	_ =	sdelay $0x3  }
0x33: {  	p0 =	seq.s32 s10, $0x1;
	s10 =	sld [smem:$0x3FB2];
	_ =	sdelay $0x3  }
0x34: {  	[smem:$0x3FB2] =	sst s10  }
0x35: {  	s10 =	sld [smem:$0x3FB1];
	_ =	sdelay $0x3  }
0x36: {  	p1 =	seq.s32 s10, $0x1;
	s10 =	sld [smem:$0x3FB2];
	_ =	sdelay $0x3  }
0x37: {  	[smem:$0x3FB2] =	sst s10  }
0x38: {  	s10 =	sld [smem:$0x3FB3]  }
0x39: {  	_ = 	snop;
	(pc) =	sbr.ind lr, $3  }
0x3a: {  	_ = 	snop  }
0x3b: {  	_ = 	snop  }
0x3c: {  	p2 =	seq.s32 s10, $0x1;
	s10 =	sld [smem:$0x3FB2]  }
0x3d: {  	_ =	shalt  }
0x3e: {  	_ =	shalt  }
0x3f: {  	_ =	shalt  }
0x40: {  	_ =	shalt  }
0x41: {  	_ =	shalt  }
0x42: {  	_ =	shalt  }
0x43: {  	_ =	shalt  }
0x44: {  	_ =	shalt  }
0x45: {  	_ =	shalt  }
0x46: {  	_ =	shalt  }
0x47: {  	_ =	shalt  }
0x48: {  	_ =	shalt  }
0x49: {  	_ =	shalt  }
0x4a: {  	_ =	shalt  }
0x4b: {  	_ =	shalt  }
0x4c: {  	_ =	shalt  }
0x4d: {  	_ =	shalt  }
0x4e: {  	_ =	shalt  }
0x4f: {  	_ =	shalt  }
0x50: {  	_ =	shalt  }
0x51: {  	_ =	shalt  }
0x52: {  	_ =	shalt  }
0x53: {  	_ =	shalt  }
0x54: {  	_ =	shalt  }
0x55: {  	_ =	shalt  }
0x56: {  	_ =	shalt  }
0x57: {  	_ =	shalt  }
0x58: {  	_ =	shalt  }
0x59: {  	_ =	shalt  }
0x5a: {  	_ =	shalt  }
0x5b: {  	_ =	shalt  }
0x5c: {  	_ =	shalt  }
0x5d: {  	_ =	shalt  }
0x5e: {  	_ =	shalt  }
0x5f: {  	_ =	shalt  }
0x60: {  	_ =	shalt  }
0x61: {  	_ =	shalt  }
0x62: {  	_ =	shalt  }
0x63: {  	_ =	shalt  }
0x64: {  	_ =	shalt  }
0x65: {  	_ =	shalt  }
0x66: {  	_ =	shalt  }
0x67: {  	_ =	shalt  }
0x68: {  	_ =	shalt  }
0x69: {  	_ =	shalt  }
0x6a: {  	_ =	shalt  }
0x6b: {  	_ =	shalt  }
0x6c: {  	_ =	shalt  }
0x6d: {  	_ =	shalt  }
0x6e: {  	_ =	shalt  }
0x6f: {  	_ =	shalt  }
0x70: {  	_ =	shalt  }
0x71: {  	_ =	shalt  }
0x72: {  	_ =	shalt  }
0x73: {  	_ =	shalt  }
0x74: {  	_ =	shalt  }
0x75: {  	_ =	shalt  }
0x76: {  	_ =	shalt  }
0x77: {  	_ =	shalt  }
0x78: {  	_ =	shalt  }
0x79: {  	_ =	shalt  }
0x7a: {  	_ =	shalt  }
0x7b: {  	_ =	shalt  }
0x7c: {  	_ =	shalt  }
0x7d: {  	_ =	shalt  }
0x7e: {  	_ =	shalt  }
0x7f: {  	_ =	shalt  }
0x80: {  	_ =	shalt  }
0x81: {  	_ =	shalt  }
0x82: {  	_ =	shalt  }
0x83: {  	_ =	shalt  }
0x84: {  	_ =	shalt  }
0x85: {  	_ =	shalt  }
0x86: {  	_ =	shalt  }
0x87: {  	_ =	shalt  }
.Lfunc_end0:
.L_simem_size_0:
called_computation_lowered:
.L_overlay_start_0:
0x88: {  	s2 =	sld [smem:$0x3FD9]  }
0x89: {  	s3 =	sld [smem:$0x3FFE];
	_ =	sdelay $0x1  }
0x8a: {  	s1 =	srdreg.scid  }
0x8b: {  	s0 =	sand.u32 $0x1, s1  }
0x8c: {  	s17 =	sshll.u32 s0, $0xA;
	s2 =	sadd.s32 s3, s2  }
0x8d: {  	s2 =	sadd.s32 s2, s17  }
0x8e: {  	[smem:$0x3FBE] =	sst s2  }
0x8f: {  	_ = 	snop  }
0x90: {  	s2 =	sld [smem:$0x3FD0];
	(tm) =	ssettm $0x1  }
0x91: {  	s18 =	sld [smem:$0x3FFB];
	_ =	sdelay $0x3  }
0x92: {  	_ =	strace s18  }
0x93: {  	s3 =	sld [smem:$0x3FFC];
	_ =	sdelay $0x3  }
0x94: {  	_ =	strace s3  }
0x95: {  	s3 =	sld [smem:$0x3FFD];
	_ =	sdelay $0x3  }
0x96: {  	_ =	strace s3  }
0x97: {  	_ =	strace $0x8FFFFFFF  }
0x98: {  	s19 =	sld [smem:$0x3FDB];
	_ =	sdelay $0x1  }
0x99: {  	s4 =	simm.s32 $_scs_section_size  }
0x9a: {  	s5 =	simm.s32 $_size__tile_overlayer_lowered;
	s6 =	simm.s32 $_tile_overlayer_lowered  }
0x9b: {  	s22 =	simm.s32 $0x1BFF;
	s21 =	sshll.u32 s6, $0x1;
	s3 =	sadd.s32 s4, s19  }
0x9c: {  	s7 =	simm.s32 $0x0;
	s20 =	sshll.u32 s5, $0x1;
	s5 =	sadd.s32 s21, s3  }
0x9d: {  	[timem:s7], [sflag:s22] =	dma.local [hbm:s5], s20  }
0x9e: {  	_ =	swait.ge [sflag:s22], s20  }
0x9f: {  	s4 =	ssub.s32 $0x0, s20;
	[sflag:s22] =	ssyncset.done $0x0  }
0xa0: {  	[sflag:s22] =	ssyncadd.s32 s4;
	_ =	sdelay $0x1  }
0xa1: {  	s23 =	simm.s32 $0x1B8B  }
0xa2: {  	_ =	swait.ge [sflag:s23], $0x1  }
0xa3: {  	[sflag:s23] =	ssyncset.done $0x0  }
0xa4: {  	s25 =	simm.s32 $0x1B8E;
	s24 =	sld [smem:$0x3FFE];
	[sflag:s23] =	ssyncadd.s32 $0xFFFFFFFF  }
0xa5: {  	s26 =	simm.s32 $execute0_lowered;
	[smem:$0x3FD2] =	sst s25  }
0xa6: {  	s5 =	sshll.u32 s26, $0x1;
	_ =	strace $0x80000049;
	[dreg:$0x1] =	wrdreg $0xFFFFFFFF  }
0xa7: {  	s28 =	simm.s32 $_size_execute0_lowered;
	s3 =	sadd.s32 s3, s5;
	[dreg:$0x0] =	wrdreg $0x0  }
0xa8: {  	s5 =	sshll.u32 s28, $0x1;
	[dreg:$0x2] =	wrdreg s3  }
0xa9: {  	[dreg:$0x3] =	wrdreg s5  }
0xaa: {  	[dreg:$0x4] =	wrdreg $0xC0  }
0xab: {  	_ =	task [dreg:s7], $0x5FFFF  }
0xac: {  	[dreg:$0x1] =	wrdreg $0xFFFFFFFF  }
0xad: {  	[dreg:$0x0] =	wrdreg $0x60  }
0xae: {  	[dreg:$0x2] =	wrdreg s2  }
0xaf: {  	[dreg:$0x3] =	wrdreg s24  }
0xb0: {  	[dreg:$0x4] =	wrdreg $0x0  }
0xb1: {  	[dreg:$0x5] =	wrdreg $0x9  }
0xb2: {  	_ =	task.clear_ibuf [dreg:s7], $0x6FFFF;
	_ =	strace $0x90000049  }
0xb3: {  	s29 =	simm.s32 $0x9;
	_ =	strace $0x8000004B  }
0xb4: {  	_ =	swait.ge [sflag:s29], $0x1  }
0xb5: {  	[sflag:s29] =	ssyncadd.s32 $0xFFFFFFFF  }
0xb6: {  	_ =	strace $0x9000004B  }
0xb7: {  	_ =	sfence  }
0xb8: {  	s30 =	sld [smem:$0x0];
	_ =	sdelay $0x2  }
0xb9: {  	s31 =	sshll.u32 s1, $0xD;
	s1 =	sshrl.u32 s1, $0x2  }
0xba: {  	s3 =	sand.u32 $0x4000, s31;
	s1 =	sadd.s32 s1, s30  }
0xbb: {  	s0 =	sor.u32 s3, s0;
	s1 =	sshll.u32 s1, $0x11  }
0xbc: {  	s0 =	sor.u32 s1, s0  }
0xbd: {  	s0 =	sadd.s32 $0x8F2B, s0  }
0xbe: {  	[sflag:s0] =	ssyncadd.remote.s32 $0x1  }
0xbf: {  	_ =	sfence.sel $0xFFFF  }
0xc0: {  	[dreg:$0x0] =	wrdreg $0xFFFFFFFF;
	(pc) =	sbr.abs _section_cstart, $3  }
0xc1: {  	[dreg:$0x1] =	wrdreg $0xFFFFFFFF  }
0xc2: {  	_ =	task.clear_ibuf [dreg:s7], $0x2FFFF;
	_ =	strace $0x9FFFFFFF  }
0xc3: {  	(tm) =	ssettm $0x7FFFFFFF  }
tec
execute0_lowered:
.L_overlay_start_1:
0x0: {  	(tag) =	ssettag $0x1  }
0x1: {  	s2 =	rddreg [dreg:$0x0]  }
0x2: {  	s0 =	srdreg.scid;
	s6 =	rddreg [dreg:$0x1]  }
0x3: {  	s3 =	rddreg [dreg:$0x2];
	s4 =	simm.s32 $0x0;
	s14 =	simm.s32 $0x19400  }
0x4: {  	s15 =	simm.s32 $0x3;
	s16 =	simm.s32 $0x14000;
	s17 =	simm.s32 $0x16800  }
0x5: {  	s18 =	simm.s32 $0x16C00;
	s19 =	simm.s32 $0x40;
	s20 =	simm.s32 $0x14040  }
0x6: {  	s21 =	simm.s32 $0x1B400;
	s22 =	simm.s32 $0x1;
	s23 =	simm.s32 $0x2  }
0x7: {  	s24 =	simm.s32 $0x80;
	s5 =	sand.u32 $0x1, s0;
	s0 =	stileid.u32  }
0x8: {  	s25 =	simm.s32 $0x0;
	[smem:$0x7FF] =	sst s4;
	s8 =	smul.u32 $0x140000, s5  }
0x9: {  	s1 =	sshll.u32 s5, $0x4;
	s9 =	smul.u32 $0x14000, s0;
	s29 =	ssub.s32 $0x2, s5  }
0xa: {  	s10 =	smul.u32 $0x50000, s0;
	s1 =	sor.u32 s0, s1;
	s31 =	sshrl.u32 s29, $0x1  }
0xb: {  	s7 =	smul.u32 $0x500, s1;
	s1 =	rddreg [dreg:$0x3];
	_ =	strace $0x8000004A  }
0xc: {  	s28 =	sadd.s32 s9, s8;
	s30 =	sshrl.u32 s10, $0x2;
	s13 =	ssub.s32 s29, s31  }
0xd: {  	s5 =	sadd.s32 s30, s3;
	s13 =	smax.u32 s13, $0x1;
	s11 =	sadd.s32 s7, s6  }
0xe: {  	s7 =	sshrl.u32 s28, $0x3;
	s8 =	sadd.s32 $0xC000, s5;
	s9 =	sadd.s32 $0x10000, s5  }
0xf: {  	s12 =	sadd.s32 s7, s6;
	s6 =	sadd.s32 $0x4000, s5;
	s7 =	sadd.s32 $0x8000, s5  }
0x10: {  	v0 =	vimm.f32 $0.0e+00;
	s10 =	sadd.s32 $0xDE00, s11;
	s11 =	sadd.s32 $0x3200, s11;
	s12 =	sadd.s32 $0x17E00, s12  }
.LBB2_1:
0x11: {  	s26 =	sand.u32 $0xFE00, s4  }
0x12: {  	s28 =	sand.u32 $0x70, s4;
	s29 =	sshrl.u32 s26, $0x2  }
0x13: {  	s26 =	simm.s32 $0x40;
	s29 =	sor.u32 s28, s29;
	s28 =	simm.s32 $0x0  }
.LBB2_2:
0x14: {  	p0 =	sne.s32 s26, $0xFFC0  }
0x15: {  	[tilespmem:s29+$0x19400] =	vst v0;
	s28 =	sadd.s32 $0x10, s28;
	s29 =	smov.u32 s26;
	s26 =	sadd.s32 $0x40, s26  }
.Ltmp0:
0x16: {  	(pc) =	sbr.rel @p0 .LBB2_2-.Ltmp0, $4  }
0x17: {  	_ = 	snop  }
0x18: {  	s29 =	sand.u32 $0xFE00, s29  }
0x19: {  	s30 =	sand.u32 $0x70, s28;
	s29 =	sshrl.u32 s29, $0x2  }
0x1a: {  	s29 =	sor.u32 s30, s29  }
0x1b: {  	[tilespmem:s29+$0x19400] =	vst v0  }
0x1c: {  	[spmem:s5] =	stream.linear.scatter [tilespmem:s14], [sflag:$0x3], $0x4000, $0x38;
	[tilespmem:$0x1D400] =	vst v63  }
0x1d: {  	_ =	swait.ge [sflag:s15], $0x4000  }
0x1e: {  	[sflag:s15] =	ssyncset.done $0x0  }
0x1f: {  	[sflag:s15] =	ssyncadd.s32 $0xFFFFC000  }
0x20: {  	[spmem:s6] =	stream.linear.scatter [tilespmem:s14], [sflag:$0x3], $0x4000, $0x38;
	[tilespmem:$0x1D400] =	vst v63  }
0x21: {  	_ =	swait.ge [sflag:s15], $0x4000  }
0x22: {  	[sflag:s15] =	ssyncset.done $0x0  }
0x23: {  	[sflag:s15] =	ssyncadd.s32 $0xFFFFC000  }
0x24: {  	[spmem:s7] =	stream.linear.scatter [tilespmem:s14], [sflag:$0x3], $0x4000, $0x38;
	[tilespmem:$0x1D400] =	vst v63  }
0x25: {  	_ =	swait.ge [sflag:s15], $0x4000  }
0x26: {  	[sflag:s15] =	ssyncset.done $0x0  }
0x27: {  	[sflag:s15] =	ssyncadd.s32 $0xFFFFC000  }
0x28: {  	[spmem:s8] =	stream.linear.scatter [tilespmem:s14], [sflag:$0x3], $0x4000, $0x38;
	[tilespmem:$0x1D400] =	vst v63  }
0x29: {  	_ =	swait.ge [sflag:s15], $0x4000  }
0x2a: {  	[sflag:s15] =	ssyncset.done $0x0  }
0x2b: {  	[sflag:s15] =	ssyncadd.s32 $0xFFFFC000  }
0x2c: {  	[spmem:s9] =	stream.linear.scatter [tilespmem:s14], [sflag:$0x3], $0x4000, $0x38;
	[tilespmem:$0x1D400] =	vst v63  }
0x2d: {  	_ =	swait.ge [sflag:s15], $0x4000  }
0x2e: {  	[sflag:s15] =	ssyncset.done $0x0  }
0x2f: {  	[sflag:s15] =	ssyncadd.s32 $0xFFFFC000  }
0x30: {  	s26 =	simm.s32 $0x0;
	[bflag:$0x0] =	sbarrier.arrive $0xFFFF  }
0x31: {  	[tilespmem:s16], [sflag:$0x3] =	stream.linear.gather [hbm4b:s10+s26], $0x2800, $0x38;
	[tilespmem:$0x1D400] =	vst v63  }
0x32: {  	_ =	swait.ge [sflag:s15], $0x2800  }
0x33: {  	[sflag:s15] =	ssyncset.done $0x0  }
0x34: {  	[sflag:s15] =	ssyncadd.s32 $0xFFFFD800  }
0x35: {  	[tilespmem:s17], [sflag:$0x3] =	stream.linear.gather [hbm4b:s10+s26], $0x400, $0x38;
	[tilespmem:$0x1D400] =	vst v63  }
0x36: {  	_ =	swait.ge [sflag:s15], $0x400  }
0x37: {  	[sflag:s15] =	ssyncset.done $0x0  }
0x38: {  	[sflag:s15] =	ssyncadd.s32 $0xFFFFFC00  }
0x39: {  	[tilespmem:s18], [sflag:$0x3] =	stream.linear.gather [hbm4b:s11+s26], $0x2800, $0x38;
	[tilespmem:$0x1D400] =	vst v63  }
0x3a: {  	_ =	swait.ge [sflag:s15], $0x2800  }
0x3b: {  	[sflag:s15] =	ssyncset.done $0x0  }
0x3c: {  	[sflag:s15] =	ssyncadd.s32 $0xFFFFD800  }
0x3d: {  	[tilespmem:s14], [sflag:$0x1] =	stream.indirect.gather [hbm4b:s2+s19], $0x80, s16, s19, $0xb8;
	[tilespmem:$0x1D400] =	vst v63  }
0x3e: {  	_ = 	snop  }
0x3f: {  	[tilespmem:s21], [sflag:$0x2] =	stream.indirect.gather [hbm4b:s2+s19], $0x80, s20, s19, $0xb8;
	[tilespmem:$0x1D400] =	vst v63  }
0x40: {  	_ =	swait.ge [sflag:s22], $0x2000  }
0x41: {  	[sflag:s22] =	ssyncset.done $0x0  }
0x42: {  	[sflag:s22] =	ssyncadd.s32 $0xFFFFE000  }
0x43: {  	_ =	swait.ge [sflag:s23], $0x2000  }
0x44: {  	[sflag:s23] =	ssyncset.done $0x0  }
0x45: {  	s30 =	simm.s32 $0x16C00;
	[sflag:s23] =	ssyncadd.s32 $0xFFFFE000  }
0x46: {  	[spmem:s3] =	stream.indirect.scatter.add.f32 [tilespmem:s14], [sflag:$0x3], $0x80, s30, s24, $0xb8;
	[tilespmem:$0x1D400] =	vst v63  }
0x47: {  	_ =	swait.ge [sflag:s15], $0x4000  }
0x48: {  	s31 =	simm.s32 $0x14080;
	[sflag:s15] =	ssyncset.done $0x0  }
0x49: {  	s28 =	simm.s32 $0x140C0;
	s26 =	simm.s32 $0x200;
	[sflag:s15] =	ssyncadd.s32 $0xFFFFC000  }
0x4a: {  	[tilespmem:s14], [sflag:$0x1] =	stream.indirect.gather [hbm4b:s2+s19], $0x80, s31, s19, $0xb8;
	[tilespmem:$0x1D400] =	vst v63  }
.LBB2_4:
0x4b: {  	[tilespmem:s21], [sflag:$0x2] =	stream.indirect.gather [hbm4b:s2+s19], $0x80, s28, s19, $0xb8;
	[tilespmem:$0x1D400] =	vst v63  }
0x4c: {  	s28 =	smov.u32 s26  }
0x4d: {  	p0 =	sne.s32 s26, $0x9E00;
	s26 =	sadd.s32 $0x200, s26;
	_ =	swait.ge [sflag:s22], $0x2000  }
0x4e: {  	[sflag:s22] =	ssyncset.done $0x0  }
0x4f: {  	[sflag:s22] =	ssyncadd.s32 $0xFFFFE000  }
0x50: {  	_ =	swait.ge [sflag:s23], $0x2000  }
0x51: {  	s28 =	sshra.s32 s28, $0x2;
	[sflag:s23] =	ssyncset.done $0x0  }
0x52: {  	s29 =	sadd.s32 $0x16C00, s28;
	[sflag:s23] =	ssyncadd.s32 $0xFFFFE000  }
0x53: {  	[spmem:s3] =	stream.indirect.scatter.add.f32 [tilespmem:s14], [sflag:$0x3], $0x80, s29, s24, $0xb8;
	[tilespmem:$0x1D400] =	vst v63  }
.Ltmp1:
0x54: {  	_ =	swait.ge [sflag:s15], $0x4000;
	(pc) =	sbr.rel @p0 .LBB2_4-.Ltmp1, $4  }
0x55: {  	[sflag:s15] =	ssyncset.done $0x0  }
0x56: {  	s29 =	sadd.s32 $0x14080, s28;
	[sflag:s15] =	ssyncadd.s32 $0xFFFFC000  }
0x57: {  	[tilespmem:s14], [sflag:$0x1] =	stream.indirect.gather [hbm4b:s2+s19], $0x80, s29, s19, $0xb8;
	[tilespmem:$0x1D400] =	vst v63  }
0x58: {  	s28 =	sadd.s32 $0x140C0, s28  }
0x59: {  	[tilespmem:s21], [sflag:$0x2] =	stream.indirect.gather [hbm4b:s2+s19], $0x80, s28, s19, $0xb8;
	[tilespmem:$0x1D400] =	vst v63  }
0x5a: {  	_ =	swait.ge [sflag:s22], $0x2000  }
0x5b: {  	[sflag:s22] =	ssyncset.done $0x0  }
0x5c: {  	[sflag:s22] =	ssyncadd.s32 $0xFFFFE000  }
0x5d: {  	_ =	swait.ge [sflag:s23], $0x2000  }
0x5e: {  	s26 =	sshll.u32 s0, $0x6;
	s25 =	sadd.s32 $0x1, s25;
	[sflag:s23] =	ssyncset.done $0x0  }
0x5f: {  	s31 =	sshrl.u32 s5, $0x3;
	p0 =	sne.s32 s25, s13;
	[sflag:s23] =	ssyncadd.s32 $0xFFFFE000  }
.Ltmp2:
0x60: {  	s26 =	sor.u32 $0x1C03, s26;
	[bflag:$0x0] =	sbarrier.arrive $0xFFFF;
	(pc) =	sbr.rel @p0 .LBB2_1-.Ltmp2, $4  }
0x61: {  	[hbm:s12], [sflag:s26] =	dma.local [spmem:s31], $0x2800  }
0x62: {  	_ =	swait.ge [sflag:s15], $0x2800  }
0x63: {  	[sflag:s15] =	ssyncset.done $0x0  }
0x64: {  	[sflag:s15] =	ssyncadd.s32 $0xFFFFD800  }
0x65: {  	_ =	sfence.sel $0x180000  }
0x66: {  	[bflag:$0x0] =	sbarrier.arrive $0xFFFF  }
0x67: {  	p0 =	sne.s32 s0, $0x0;
	_ =	strace $0x9000004A  }
0x68: {  	s0 =	sadd.s32 @!p0 $0x100000, s1;
	[bflag:$0x2] =	sbarrier.arrive $0xFFFF  }
0x69: {  	[sflag:s0] =	ssyncadd.tile.s32 @!p0 $0x1;
	_ =	shalt  }
.Lfunc_end2:
_tile_overlayer_lowered:
.L_overlay_start_2:
0x6a: {  	(tag) =	ssettag $0x2  }
0x6b: {  	s0 =	rddreg [dreg:$0x0];
	s2 =	stileid.u32  }
0x6c: {  	s1 =	rddreg [dreg:$0x1];
	p0 =	sne.s32 s2, $0x0  }
0x6d: {  	s3 =	rddreg [dreg:$0x2];
	[bflag:$0x3] =	sbarrier.arrive $0xFFFF;
	s2 =	simm.s32 @!p0 $0x1C03  }
0x6e: {  	[timem:s3], [sflag:s2] =	dma.local @!p0 [hbm:s0], s1  }
0x6f: {  	s0 =	simm.s32 @!p0 $0x3  }
0x70: {  	_ =	swait.ge @!p0 [sflag:s0], s1  }
0x71: {  	s1 =	ssub.s32 @!p0 $0x0, s1;
	[sflag:s0] =	ssyncset.done @!p0 $0x0  }
0x72: {  	[sflag:s0] =	ssyncadd.s32 @!p0 s1  }
0x73: {  	[bflag:$0x3] =	sbarrier.arrive $0xFFFF  }
0x74: {  	_ =	shalt  }

// kernel: kernel.4.cloned.1.call-start
scs
__scs_entry_jumppad:
0x0: {  	(pc) =	sbr.rel $0x88, $3  }
0x1: {  	(tag) =	ssettag $0x0;
	lr =	simm.s32 $0x1  }
0x2: {  	[smem:$0x3F97] =	sst lr;
	_ =	strace $0xD0000000  }
0x3: {  	_ = 	snop  }
0x4: {  	_ = 	snop  }
0x5: {  	_ = 	snop  }
0x6: {  	_ = 	snop  }
0x7: {  	_ = 	snop  }
__scs_overlays_trampoline_lowered:
0x8: {  	[smem:$0x3FA6] =	sst s0  }
0x9: {  	[smem:$0x3FA7] =	sst s1  }
0xa: {  	[smem:$0x3FA8] =	sst s2  }
0xb: {  	[smem:$0x3FA9] =	sst s3  }
0xc: {  	[smem:$0x3FAA] =	sst s4  }
0xd: {  	[smem:$0x3FAB] =	sst s5  }
0xe: {  	[smem:$0x3FAC] =	sst s6  }
0xf: {  	[smem:$0x3FAD] =	sst s7  }
0x10: {  	[smem:$0x3FAE] =	sst s8  }
0x11: {  	[smem:$0x3FAF] =	sst s9;
	s0 =	simm.s32 @!p0 $0x0  }
0x12: {  	s1 =	sld [smem:$0x3F95];
	s0 =	simm.s32 @p0 $0x1  }
0x13: {  	[smem:$0x3FB0] =	sst s0;
	s0 =	simm.s32 @!p1 $0x0  }
0x14: {  	s2 =	sld [smem:$0x3F94];
	s0 =	simm.s32 @p1 $0x1  }
0x15: {  	[smem:$0x3FB1] =	sst s0;
	s0 =	simm.s32 @!p2 $0x0  }
0x16: {  	s3 =	sld [smem:$0x3FDB];
	s0 =	simm.s32 @p2 $0x1  }
0x17: {  	s4 =	simm.s32 $0x1BF5;
	[smem:$0x3FB3] =	sst s0  }
0x18: {  	s0 =	sld [smem:$0x3F96];
	_ =	swait.ge [sflag:s4], $0x0  }
0x19: {  	s7 =	sld [smem:$0x3F97]  }
0x1a: {  	s8 =	sadd.s32 $0xFFFFE003, lr  }
0x1b: {  	s9 =	sadd.s32 $0xFFFFFEF7, lr;
	s5 =	simm.s32 $0xFFFFFFFF;
	p2 =	slt.u32 s8, $0xFFFFF086  }
0x1c: {  	p1 =	slt.u32 s9, $0xF7A;
	s5 =	simm.s32 @!p2 $0x0  }
0x1d: {  	s5 =	simm.s32 @p1 $0x1;
	p0 =	seq.s32 s7, s2  }
0x1e: {  	s7 =	smul.u32 @!p0 $0xF7A, s2;
	p2 =	seq.s32 @!p0 s5, $0x0  }
0x1f: {  	s9 =	smul.u32 $0xF7A, s1;
	s8 =	simm.s32 @!p0 $0x1BF5;
	p2 =	por !p2, p0  }
0x20: {  	[sflag:s8] =	ssyncset.s32 @!p0 $0xFFFFF086;
	s6 =	sadd.s32 @!p0 s3, s7;
	s7 =	simm.s32 @!p0 $0x108  }
0x21: {  	s3 =	sadd.s32 s3, s9;
	s6 =	sadd.s32 @!p0 $0x88, s6;
	s7 =	simm.s32 @p2 $0x1082  }
0x22: {  	[simem:s7], [sflag:s8] =	dma.local @!p0 [hbm:s6], $0xF7A  }
0x23: {  	s9 =	sor.u32 $0xD0000000, s2;
	s6 =	simm.s32 $0x108;
	_ =	swait.ge @!p0 [sflag:s8], $0x0  }
0x24: {  	s3 =	sadd.s32 $0x88, s3;
	s6 =	simm.s32 @!p1 $0x1082;
	[sflag:s4] =	ssyncset.s32 $0xFFFFF086  }
0x25: {  	[simem:s6], [sflag:s4] =	dma.local [hbm:s3], $0xF7A  }
0x26: {  	[smem:$0x3F97] =	sst s1;
	(tag) =	ssettag s2;
	_ =	strace s9  }
0x27: {  	s1 =	sld [smem:$0x3FA7]  }
0x28: {  	s2 =	sld [smem:$0x3FA8]  }
0x29: {  	s4 =	sld [smem:$0x3FAA]  }
0x2a: {  	p0 =	seq.s32 s5, $0x0;
	s5 =	sld [smem:$0x3FAB]  }
0x2b: {  	s6 =	sld [smem:$0x3FAC]  }
0x2c: {  	s7 =	sld [smem:$0x3FAD]  }
0x2d: {  	s3 =	simm.s32 $0x108;
	s8 =	sld [smem:$0x3FAE]  }
0x2e: {  	s3 =	simm.s32 @!p0 $0x1082;
	s9 =	sld [smem:$0x3FAF]  }
0x2f: {  	lr =	sadd.s32 s0, s3;
	s0 =	sld [smem:$0x3FA6]  }
0x30: {  	s3 =	sld [smem:$0x3FA9]  }
0x31: {  	[smem:$0x3FB2] =	sst s10  }
0x32: {  	s10 =	sld [smem:$0x3FB0];
	_ =	sdelay $0x3  }
0x33: {  	p0 =	seq.s32 s10, $0x1;
	s10 =	sld [smem:$0x3FB2];
	_ =	sdelay $0x3  }
0x34: {  	[smem:$0x3FB2] =	sst s10  }
0x35: {  	s10 =	sld [smem:$0x3FB1];
	_ =	sdelay $0x3  }
0x36: {  	p1 =	seq.s32 s10, $0x1;
	s10 =	sld [smem:$0x3FB2];
	_ =	sdelay $0x3  }
0x37: {  	[smem:$0x3FB2] =	sst s10  }
0x38: {  	s10 =	sld [smem:$0x3FB3]  }
0x39: {  	_ = 	snop;
	(pc) =	sbr.ind lr, $3  }
0x3a: {  	_ = 	snop  }
0x3b: {  	_ = 	snop  }
0x3c: {  	p2 =	seq.s32 s10, $0x1;
	s10 =	sld [smem:$0x3FB2]  }
0x3d: {  	_ =	shalt  }
0x3e: {  	_ =	shalt  }
0x3f: {  	_ =	shalt  }
0x40: {  	_ =	shalt  }
0x41: {  	_ =	shalt  }
0x42: {  	_ =	shalt  }
0x43: {  	_ =	shalt  }
0x44: {  	_ =	shalt  }
0x45: {  	_ =	shalt  }
0x46: {  	_ =	shalt  }
0x47: {  	_ =	shalt  }
0x48: {  	_ =	shalt  }
0x49: {  	_ =	shalt  }
0x4a: {  	_ =	shalt  }
0x4b: {  	_ =	shalt  }
0x4c: {  	_ =	shalt  }
0x4d: {  	_ =	shalt  }
0x4e: {  	_ =	shalt  }
0x4f: {  	_ =	shalt  }
0x50: {  	_ =	shalt  }
0x51: {  	_ =	shalt  }
0x52: {  	_ =	shalt  }
0x53: {  	_ =	shalt  }
0x54: {  	_ =	shalt  }
0x55: {  	_ =	shalt  }
0x56: {  	_ =	shalt  }
0x57: {  	_ =	shalt  }
0x58: {  	_ =	shalt  }
0x59: {  	_ =	shalt  }
0x5a: {  	_ =	shalt  }
0x5b: {  	_ =	shalt  }
0x5c: {  	_ =	shalt  }
0x5d: {  	_ =	shalt  }
0x5e: {  	_ =	shalt  }
0x5f: {  	_ =	shalt  }
0x60: {  	_ =	shalt  }
0x61: {  	_ =	shalt  }
0x62: {  	_ =	shalt  }
0x63: {  	_ =	shalt  }
0x64: {  	_ =	shalt  }
0x65: {  	_ =	shalt  }
0x66: {  	_ =	shalt  }
0x67: {  	_ =	shalt  }
0x68: {  	_ =	shalt  }
0x69: {  	_ =	shalt  }
0x6a: {  	_ =	shalt  }
0x6b: {  	_ =	shalt  }
0x6c: {  	_ =	shalt  }
0x6d: {  	_ =	shalt  }
0x6e: {  	_ =	shalt  }
0x6f: {  	_ =	shalt  }
0x70: {  	_ =	shalt  }
0x71: {  	_ =	shalt  }
0x72: {  	_ =	shalt  }
0x73: {  	_ =	shalt  }
0x74: {  	_ =	shalt  }
0x75: {  	_ =	shalt  }
0x76: {  	_ =	shalt  }
0x77: {  	_ =	shalt  }
0x78: {  	_ =	shalt  }
0x79: {  	_ =	shalt  }
0x7a: {  	_ =	shalt  }
0x7b: {  	_ =	shalt  }
0x7c: {  	_ =	shalt  }
0x7d: {  	_ =	shalt  }
0x7e: {  	_ =	shalt  }
0x7f: {  	_ =	shalt  }
0x80: {  	_ =	shalt  }
0x81: {  	_ =	shalt  }
0x82: {  	_ =	shalt  }
0x83: {  	_ =	shalt  }
0x84: {  	_ =	shalt  }
0x85: {  	_ =	shalt  }
0x86: {  	_ =	shalt  }
0x87: {  	_ =	shalt  }
.Lfunc_end0:
.L_simem_size_0:
called_computation.1_lowered:
.L_overlay_start_0:
0x88: {  	s2 =	sld [smem:$0x3FD9]  }
0x89: {  	s3 =	sld [smem:$0x3FFE];
	_ =	sdelay $0x1  }
0x8a: {  	s1 =	srdreg.scid  }
0x8b: {  	s0 =	sand.u32 $0x1, s1  }
0x8c: {  	s16 =	sshll.u32 s0, $0xA;
	s2 =	sadd.s32 s3, s2  }
0x8d: {  	s2 =	sadd.s32 s2, s16  }
0x8e: {  	[smem:$0x3FBE] =	sst s2  }
0x8f: {  	_ = 	snop  }
0x90: {  	(tm) =	ssettm $0x1  }
0x91: {  	s17 =	sld [smem:$0x3FFB];
	_ =	sdelay $0x3  }
0x92: {  	_ =	strace s17  }
0x93: {  	s2 =	sld [smem:$0x3FFC];
	_ =	sdelay $0x3  }
0x94: {  	_ =	strace s2  }
0x95: {  	s2 =	sld [smem:$0x3FFD];
	_ =	sdelay $0x3  }
0x96: {  	_ =	strace s2  }
0x97: {  	_ =	strace $0x8FFFFFFF  }
0x98: {  	s18 =	sld [smem:$0x3FDB];
	_ =	sdelay $0x1  }
0x99: {  	s19 =	simm.s32 $_scs_section_size  }
0x9a: {  	s4 =	simm.s32 $_size__tile_overlayer_lowered;
	s5 =	simm.s32 $_tile_overlayer_lowered  }
0x9b: {  	s22 =	simm.s32 $0x1BFF;
	s21 =	sshll.u32 s5, $0x1;
	s2 =	sadd.s32 s19, s18  }
0x9c: {  	s6 =	simm.s32 $0x0;
	s20 =	sshll.u32 s4, $0x1;
	s4 =	sadd.s32 s21, s2  }
0x9d: {  	[timem:s6], [sflag:s22] =	dma.local [hbm:s4], s20  }
0x9e: {  	_ =	swait.ge [sflag:s22], s20  }
0x9f: {  	s3 =	ssub.s32 $0x0, s20;
	[sflag:s22] =	ssyncset.done $0x0  }
0xa0: {  	[sflag:s22] =	ssyncadd.s32 s3;
	_ =	sdelay $0x1  }
0xa1: {  	s23 =	simm.s32 $0x1B8B  }
0xa2: {  	_ =	swait.ge [sflag:s23], $0x1  }
0xa3: {  	[sflag:s23] =	ssyncset.done $0x0  }
0xa4: {  	s25 =	simm.s32 $0x1B8E;
	s24 =	sld [smem:$0x3FFE];
	[sflag:s23] =	ssyncadd.s32 $0xFFFFFFFF  }
0xa5: {  	s26 =	simm.s32 $execute0_lowered;
	[smem:$0x3FD2] =	sst s25  }
0xa6: {  	s4 =	sshll.u32 s26, $0x1;
	_ =	strace $0x80000046;
	[dreg:$0x1] =	wrdreg $0xFFFFFFFF  }
0xa7: {  	s28 =	simm.s32 $_size_execute0_lowered;
	s2 =	sadd.s32 s2, s4;
	[dreg:$0x0] =	wrdreg $0x0  }
0xa8: {  	s4 =	sshll.u32 s28, $0x1;
	[dreg:$0x2] =	wrdreg s2  }
0xa9: {  	[dreg:$0x3] =	wrdreg s4  }
0xaa: {  	[dreg:$0x4] =	wrdreg $0xC0  }
0xab: {  	_ =	task [dreg:s6], $0x5FFFF  }
0xac: {  	[dreg:$0x1] =	wrdreg $0xFFFFFFFF  }
0xad: {  	[dreg:$0x0] =	wrdreg $0x60  }
0xae: {  	[dreg:$0x2] =	wrdreg s24  }
0xaf: {  	[dreg:$0x3] =	wrdreg $0x0  }
0xb0: {  	[dreg:$0x4] =	wrdreg $0x9  }
0xb1: {  	_ =	task.clear_ibuf [dreg:s6], $0x5FFFF;
	_ =	strace $0x90000046  }
0xb2: {  	s29 =	simm.s32 $0x9;
	_ =	strace $0x80000048  }
0xb3: {  	_ =	swait.ge [sflag:s29], $0x1  }
0xb4: {  	[sflag:s29] =	ssyncadd.s32 $0xFFFFFFFF  }
0xb5: {  	_ =	strace $0x90000048  }
0xb6: {  	_ =	sfence  }
0xb7: {  	s30 =	sld [smem:$0x0];
	_ =	sdelay $0x2  }
0xb8: {  	s31 =	sshll.u32 s1, $0xD;
	s1 =	sshrl.u32 s1, $0x2  }
0xb9: {  	s3 =	sand.u32 $0x4000, s31;
	s1 =	sadd.s32 s1, s30  }
0xba: {  	s0 =	sor.u32 s3, s0;
	s1 =	sshll.u32 s1, $0x11  }
0xbb: {  	s0 =	sor.u32 s1, s0  }
0xbc: {  	s0 =	sadd.s32 $0x8F2B, s0  }
0xbd: {  	[sflag:s0] =	ssyncadd.remote.s32 $0x1  }
0xbe: {  	_ =	sfence.sel $0xFFFF  }
0xbf: {  	[dreg:$0x0] =	wrdreg $0xFFFFFFFF;
	(pc) =	sbr.abs _section_cstart, $3  }
0xc0: {  	[dreg:$0x1] =	wrdreg $0xFFFFFFFF  }
0xc1: {  	_ =	task.clear_ibuf [dreg:s6], $0x2FFFF;
	_ =	strace $0x9FFFFFFF  }
0xc2: {  	(tm) =	ssettm $0x7FFFFFFF  }
0xc3: {  	_ =	shalt  }
tec
execute0_lowered:
.L_overlay_start_1:
0x0: {  	(tag) =	ssettag $0x1  }
0x1: {  	s4 =	rddreg [dreg:$0x0];
	s0 =	srdreg.scid  }
0x2: {  	s2 =	rddreg [dreg:$0x1];
	s1 =	stileid.u32  }
0x3: {  	s3 =	simm.s32 $0x0;
	s10 =	simm.s32 $0x280;
	s11 =	simm.s32 $0x80  }
0x4: {  	s12 =	simm.s32 $0x2A80;
	s5 =	sand.u32 $0x1, s0;
	s0 =	rddreg [dreg:$0x2]  }
0x5: {  	s15 =	simm.s32 $0x0;
	s7 =	smul.u32 $0x280, s1;
	[smem:$0x7FF] =	sst s3  }
0x6: {  	s13 =	sshll.u32 s1, $0x6;
	s6 =	sshll.u32 s5, $0x4;
	s8 =	smul.u32 $0x2800, s5  }
0x7: {  	_ =	strace $0x80000047;
	s5 =	ssub.s32 $0x2, s5;
	s6 =	sor.u32 s1, s6  }
0x8: {  	s9 =	sshrl.u32 s5, $0x1;
	s6 =	smul.u32 $0x500, s6;
	s8 =	sadd.s32 s7, s8  }
0x9: {  	s13 =	sor.u32 $0x1C01, s13;
	s9 =	ssub.s32 s5, s9;
	s8 =	sshrl.u32 s8, $0x3  }
0xa: {  	s6 =	sadd.s32 s6, s4;
	s8 =	sadd.s32 s8, s4;
	s4 =	sadd.s32 s7, s2  }
0xb: {  	s7 =	smax.u32 s9, $0x1;
	s9 =	simm.s32 $0x1;
	s5 =	sadd.s32 $0x3200, s6  }
0xc: {  	v0 =	vimm.f32 $0.0e+00;
	v1 =	vimm.f32 $1.000000000e+00;
	s6 =	sadd.s32 $0xD200, s8;
	s8 =	simm.s32 $0x2B00;
	s14 =	sshrl.u32 s4, $0x3  }
.LBB2_1:
0xd: {  	[tilespmem:$0x2B00] =	vst v0  }
0xe: {  	[tilespmem:$0x2B10] =	vst v0  }
0xf: {  	[tilespmem:$0x2B20] =	vst v0  }
0x10: {  	[tilespmem:$0x2B30] =	vst v0  }
0x11: {  	[tilespmem:$0x2B40] =	vst v0  }
0x12: {  	[tilespmem:$0x2B50] =	vst v0  }
0x13: {  	[tilespmem:$0x2B60] =	vst v0  }
0x14: {  	[tilespmem:$0x2B70] =	vst v0  }
0x15: {  	[tilespmem:$0x2B80] =	vst v0  }
0x16: {  	[tilespmem:$0x2B90] =	vst v0  }
0x17: {  	[tilespmem:$0x2BA0] =	vst v0  }
0x18: {  	[tilespmem:$0x2BB0] =	vst v0  }
0x19: {  	[tilespmem:$0x2BC0] =	vst v0  }
0x1a: {  	[tilespmem:$0x2BD0] =	vst v0  }
0x1b: {  	[tilespmem:$0x2BE0] =	vst v0  }
0x1c: {  	[tilespmem:$0x2BF0] =	vst v0  }
0x1d: {  	[tilespmem:$0x2C00] =	vst v0  }
0x1e: {  	[tilespmem:$0x2C10] =	vst v0  }
0x1f: {  	[tilespmem:$0x2C20] =	vst v0  }
0x20: {  	[tilespmem:$0x2C30] =	vst v0  }
0x21: {  	[tilespmem:$0x2C40] =	vst v0  }
0x22: {  	[tilespmem:$0x2C50] =	vst v0  }
0x23: {  	[tilespmem:$0x2C60] =	vst v0  }
0x24: {  	[tilespmem:$0x2C70] =	vst v0  }
0x25: {  	[tilespmem:$0x2C80] =	vst v0  }
0x26: {  	[tilespmem:$0x2C90] =	vst v0  }
0x27: {  	[tilespmem:$0x2CA0] =	vst v0  }
0x28: {  	[tilespmem:$0x2CB0] =	vst v0  }
0x29: {  	[tilespmem:$0x2CC0] =	vst v0  }
0x2a: {  	[tilespmem:$0x2CD0] =	vst v0  }
0x2b: {  	[tilespmem:$0x2CE0] =	vst v0  }
0x2c: {  	[tilespmem:$0x2CF0] =	vst v0  }
0x2d: {  	[tilespmem:$0x2D00] =	vst v0  }
0x2e: {  	[tilespmem:$0x2D10] =	vst v0  }
0x2f: {  	[tilespmem:$0x2D20] =	vst v0  }
0x30: {  	[tilespmem:$0x2D30] =	vst v0  }
0x31: {  	[tilespmem:$0x2D40] =	vst v0  }
0x32: {  	[tilespmem:$0x2D50] =	vst v0  }
0x33: {  	[tilespmem:$0x2D60] =	vst v0  }
0x34: {  	[tilespmem:$0x2D70] =	vst v0  }
0x35: {  	[spmem:s4] =	stream.linear.scatter [tilespmem:s8], [sflag:$0x1], $0x280, $0x38;
	[tilespmem:$0x2D80] =	vst v63  }
0x36: {  	_ =	swait.ge [sflag:s9], $0x280  }
0x37: {  	[sflag:s9] =	ssyncset.done $0x0  }
0x38: {  	[sflag:s9] =	ssyncadd.s32 $0xFFFFFD80  }
0x39: {  	[tilespmem:$0x2A80] =	vst v1  }
0x3a: {  	[tilespmem:$0x2A90] =	vst v1  }
0x3b: {  	[tilespmem:$0x2AA0] =	vst v1  }
0x3c: {  	[tilespmem:$0x2AB0] =	vst v1  }
0x3d: {  	[tilespmem:$0x2AC0] =	vst v1  }
0x3e: {  	[tilespmem:$0x2AD0] =	vst v1  }
0x3f: {  	[tilespmem:$0x2AE0] =	vst v1  }
0x40: {  	[tilespmem:$0x2AF0] =	vst v1  }
0x41: {  	[tilespmem:s10], [sflag:$0x1] =	stream.linear.gather [hbm4b:s5+s3], $0x2800, $0x38;
	[tilespmem:$0x2D80] =	vst v63  }
0x42: {  	_ =	swait.ge [sflag:s9], $0x2800  }
0x43: {  	[sflag:s9] =	ssyncset.done $0x0  }
0x44: {  	[sflag:s9] =	ssyncadd.s32 $0xFFFFD800  }
0x45: {  	s16 =	simm.s32 $0x280;
	[bflag:$0x0] =	sbarrier.arrive $0xFFFF  }
0x46: {  	[spmem:s2] =	stream.indirect.scatter.add.f32 [tilespmem:s12], [sflag:$0x1], $0x1, s16, s11, $0xb8;
	[tilespmem:$0x2D80] =	vst v63  }
0x47: {  	s16 =	simm.s32 $0x200;
	_ =	swait.ge [sflag:s9], $0x80  }
.LBB2_2:
0x48: {  	s17 =	sshra.s32 s16, $0x2;
	[sflag:s9] =	ssyncset.done $0x0;
	p0 =	sne.s32 s16, $0x9E00  }
.Ltmp0:
0x49: {  	s17 =	sadd.s32 $0x280, s17;
	[sflag:s9] =	ssyncadd.s32 $0xFFFFFF80;
	(pc) =	sbr.rel @p0 .LBB2_2-.Ltmp0, $3  }
0x4a: {  	[spmem:s2] =	stream.indirect.scatter.add.f32 [tilespmem:s12], [sflag:$0x1], $0x1, s17, s11, $0xb8;
	[tilespmem:$0x2D80] =	vst v63  }
0x4b: {  	s16 =	sadd.s32 $0x200, s16;
	_ =	sdelay $0x1  }
0x4c: {  	_ =	swait.ge [sflag:s9], $0x80  }
0x4d: {  	[sflag:s9] =	ssyncset.done $0x0;
	s15 =	sadd.s32 $0x1, s15  }
0x4e: {  	[sflag:s9] =	ssyncadd.s32 $0xFFFFFF80;
	p0 =	sne.s32 s15, s7  }
.Ltmp1:
0x4f: {  	[bflag:$0x0] =	sbarrier.arrive $0xFFFF;
	(pc) =	sbr.rel @p0 .LBB2_1-.Ltmp1, $4  }
0x50: {  	[hbm:s6], [sflag:s13] =	dma.local [spmem:s14], $0x50  }
0x51: {  	_ =	swait.ge [sflag:s9], $0x50  }
0x52: {  	[sflag:s9] =	ssyncset.done $0x0  }
0x53: {  	[sflag:s9] =	ssyncadd.s32 $0xFFFFFFB0  }
0x54: {  	_ =	sfence.sel $0x180000  }
0x55: {  	[bflag:$0x0] =	sbarrier.arrive $0xFFFF  }
0x56: {  	p0 =	sne.s32 s1, $0x0;
	_ =	strace $0x90000047  }
0x57: {  	s0 =	sadd.s32 @!p0 $0x100000, s0;
	[bflag:$0x2] =	sbarrier.arrive $0xFFFF  }
0x58: {  	[sflag:s0] =	ssyncadd.tile.s32 @!p0 $0x1;
	_ =	shalt  }
.Lfunc_end2:
_tile_overlayer_lowered:
.L_overlay_start_2:
0x59: {  	(tag) =	ssettag $0x2  }
0x5a: {  	s0 =	rddreg [dreg:$0x0];
	s2 =	stileid.u32  }
0x5b: {  	s1 =	rddreg [dreg:$0x1];
	p0 =	sne.s32 s2, $0x0  }
0x5c: {  	s3 =	rddreg [dreg:$0x2];
	[bflag:$0x3] =	sbarrier.arrive $0xFFFF;
	s2 =	simm.s32 @!p0 $0x1C01  }
0x5d: {  	[timem:s3], [sflag:s2] =	dma.local @!p0 [hbm:s0], s1  }
0x5e: {  	s0 =	simm.s32 @!p0 $0x1  }
0x5f: {  	_ =	swait.ge @!p0 [sflag:s0], s1  }
0x60: {  	s1 =	ssub.s32 @!p0 $0x0, s1;
	[sflag:s0] =	ssyncset.done @!p0 $0x0  }
0x61: {  	[sflag:s0] =	ssyncadd.s32 @!p0 s1  }
0x62: {  	[bflag:$0x3] =	sbarrier.arrive $0xFFFF  }
0x63: {  	_ =	shalt  }

</sc_bundles>
